<compile_context>
chip_gen: v7x
topology: tpu7x:2x2x1
jax: 0.10.2.dev20260603
libtpu: 0.0.44.dev20260713+nightly
codegen_flags: <defaults>
</compile_context>

<pallas_src>
import functools

import jax
import jax.numpy as jnp
from jax import lax
from jax.experimental import pallas as pl
from jax.experimental.pallas import tpu as pltpu
from jax.experimental.pallas import tpu_sc as plsc

F32 = jnp.float32
BF16 = jnp.bfloat16
I32 = jnp.int32

K_TOP = 32
LN_EPS = 1e-12

B, T, H = 4, 2048, 768
NM = 512
ROWS, VPR, KD = 1024, 64, 128
MSIZE = ROWS * VPR
VD = 128
FLAT = B * T
NW = 32
RK = 4096
NBLK = MSIZE // RK
RPB = RK // VPR
ETILE = 1024
NTILE = FLAT // ETILE

def _wid():
    return lax.axis_index("s") * 2 + lax.axis_index("c")


@functools.cache
def _sc_gather_se():
    @functools.partial(
        pl.kernel,
        mesh=plsc.VectorSubcoreMesh(core_axis_name="c", subcore_axis_name="s"),
        out_type=[jax.ShapeDtypeStruct((NM, H), F32),
                  jax.ShapeDtypeStruct((NM, H), F32)],
        scratch_types=[pltpu.VMEM((16,), I32),
                       pltpu.VMEM((16,), I32),
                       pltpu.VMEM((16,), I32),
                       pltpu.VMEM((16, H), F32),
                       pltpu.VMEM((16, H), F32),
                       pltpu.SemaphoreType.DMA],
    )
    def k(flat_hbm, bpos_hbm, spos_hbm, epos_hbm, out_s, out_e,
          bidx_v, idx_v, idx2_v, rows_v, rows2_v, sem):
        base = _wid() * 16
        pltpu.sync_copy(bpos_hbm.at[pl.ds(base, 16)], bidx_v)
        pltpu.sync_copy(spos_hbm.at[pl.ds(base, 16)], idx_v)
        pltpu.sync_copy(epos_hbm.at[pl.ds(base, 16)], idx2_v)
        idx_v[...] = bidx_v[...] * T + idx_v[...]
        idx2_v[...] = bidx_v[...] * T + idx2_v[...]
        c1 = pltpu.async_copy(flat_hbm.at[idx_v], rows_v, sem)
        c2 = pltpu.async_copy(flat_hbm.at[idx2_v], rows2_v, sem)
        c1.wait()
        c2.wait()
        pltpu.sync_copy(rows_v, out_s.at[pl.ds(base, 16)])
        pltpu.sync_copy(rows2_v, out_e.at[pl.ds(base, 16)])

    return k


@functools.cache
def _sc_gather_topk():
    @functools.partial(
        pl.kernel,
        mesh=plsc.VectorSubcoreMesh(core_axis_name="c", subcore_axis_name="s"),
        out_type=[jax.ShapeDtypeStruct((NM * K_TOP, VD), F32),
                  jax.ShapeDtypeStruct((NM * K_TOP,), I32)],
        scratch_types=[pltpu.VMEM((512,), I32),
                       pltpu.VMEM((512, VD), F32),
                       pltpu.VMEM((512,), I32),
                       pltpu.SemaphoreType.DMA,
                       pltpu.SemaphoreType.DMA],
    )
    def k(tid_hbm, vals_hbm, eids_hbm, out_v, out_e,
          idx_v, rows_v, eid_v, sem, sem2):
        w = _wid()
        base = w * 512
        pltpu.sync_copy(tid_hbm.at[pl.ds(base, 512)], idx_v)
        cps = []
        for c in range(4):
            sl = pl.ds(c * 128, 128)
            cps.append(pltpu.async_copy(vals_hbm.at[idx_v.at[sl]],
                                        rows_v.at[sl], sem))
            cps.append(pltpu.async_copy(eids_hbm.at[idx_v.at[sl]],
                                        eid_v.at[sl], sem2))
        for cp in cps:
            cp.wait()
        pltpu.sync_copy(rows_v, out_v.at[pl.ds(base, 512)])
        pltpu.sync_copy(eid_v, out_e.at[pl.ds(base, 512)])

    return k


def _abc_body(s_ref, e_ref, wq_ref, bq_ref, k_ref,
              q_out, ts_ref, ti_ref, at_ref,
              q_s, rm_s, code_s):
    pid = pl.program_id(0)

    @pl.when(pid == 0)
    def _():
        cat = jnp.concatenate((s_ref[...], e_ref[...]), axis=-1).astype(BF16)
        wb = wq_ref[...].astype(BF16)
        acc = None
        for i in range(6):
            c = lax.dot_general(cat[:, 256 * i:256 * (i + 1)],
                                wb[256 * i:256 * (i + 1)],
                                (((1,), (0,)), ((), ())),
                                preferred_element_type=F32)
            acc = c if acc is None else acc + c
        q = acc + bq_ref[...]
        q_out[...] = q
        q_s[...] = q

    kb = k_ref[...].astype(BF16)
    qb = q_s[...].astype(BF16)
    st = lax.dot_general(kb, qb, (((1,), (1,)), ((), ())),
                         preferred_element_type=F32)
    s3 = st.reshape(RPB, VPR, NM)
    m = jnp.max(s3, axis=1)
    iot = lax.broadcasted_iota(I32, (RPB, VPR, NM), 1)
    a = jnp.min(jnp.where(s3 == m[:, None, :], iot, VPR), axis=1)
    rowg = pid * RPB + lax.broadcasted_iota(I32, (RPB, NM), 0)
    rm_s[pl.ds(pid * RPB, RPB), :] = m
    code_s[pl.ds(pid * RPB, RPB), :] = rowg * VPR + a

    @pl.when(pid == NBLK - 1)
    def _():
        work = rm_s[...]
        code = code_s[...]
        ts_rows = []
        for k in range(K_TOP):
            mx = jnp.max(work, axis=0, keepdims=True)
            tid = jnp.min(jnp.where(work == mx, code, MSIZE),
                          axis=0, keepdims=True)
            hit = (code >> 6) == (tid >> 6)
            ts_ref[k:k + 1, :] = mx
            ti_ref[k:k + 1, :] = tid
            work = jnp.where(hit, -jnp.inf, work)
            ts_rows.append(mx)
        ts = jnp.concatenate(ts_rows, axis=0)
        ex = jnp.exp(ts - ts[0:1, :])
        at_ref[...] = ex / jnp.sum(ex, axis=0, keepdims=True)


def _e_body(att_ref, v_ref, wu_ref, bu_ref, m_ref,
            enc_ref, bp_ref, sp_ref, ep_ref, g_ref, b_ref,
            o_ref, proj_s):
    pid = pl.program_id(0)

    @pl.when(pid == 0)
    def _():
        v3 = v_ref[...].reshape(NM, K_TOP, VD)
        pooled = jnp.sum(v3 * att_ref[...][:, :, None], axis=1)
        proj = lax.dot_general(
            pooled.astype(BF16), wu_ref[...].astype(BF16),
            (((1,), (0,)), ((), ())), preferred_element_type=F32) + bu_ref[...]
        proj_s[...] = (proj * m_ref[...]).astype(BF16)

    base = pid * ETILE
    r = base + lax.broadcasted_iota(I32, (ETILE, 1), 0)
    ps = bp_ref[...] * T + sp_ref[...]
    pe = bp_ref[...] * T + ep_ref[...]
    mhot = ((r == ps).astype(F32) + (r == pe).astype(F32)).astype(BF16)
    delta = lax.dot_general(mhot, proj_s[...], (((1,), (0,)), ((), ())),
                            preferred_element_type=F32)
    x = enc_ref[...] + delta
    mean = jnp.mean(x, axis=-1, keepdims=True)
    xc = x - mean
    var = jnp.mean(xc * xc, axis=-1, keepdims=True)
    o_ref[...] = xc * lax.rsqrt(var + LN_EPS) * g_ref[...] + b_ref[...]


def _tc_abc(start_enc, end_enc, W_query, b_query, kflat):
    return pl.pallas_call(
        _abc_body,
        grid=(NBLK,),
        in_specs=[pl.BlockSpec((NM, H), lambda k: (0, 0)),
                  pl.BlockSpec((NM, H), lambda k: (0, 0)),
                  pl.BlockSpec((2 * H, KD), lambda k: (0, 0)),
                  pl.BlockSpec((1, KD), lambda k: (0, 0)),
                  pl.BlockSpec((RK, KD), lambda k: (k, 0))],
        out_specs=[pl.BlockSpec((NM, KD), lambda k: (0, 0)),
                   pl.BlockSpec((K_TOP, NM), lambda k: (0, 0)),
                   pl.BlockSpec((K_TOP, NM), lambda k: (0, 0)),
                   pl.BlockSpec((K_TOP, NM), lambda k: (0, 0))],
        out_shape=[jax.ShapeDtypeStruct((NM, KD), F32),
                   jax.ShapeDtypeStruct((K_TOP, NM), F32),
                   jax.ShapeDtypeStruct((K_TOP, NM), I32),
                   jax.ShapeDtypeStruct((K_TOP, NM), F32)],
        scratch_shapes=[pltpu.VMEM((NM, KD), F32),
                        pltpu.VMEM((ROWS, NM), F32),
                        pltpu.VMEM((ROWS, NM), I32)],
    )(start_enc, end_enc, W_query, b_query.reshape(1, KD), kflat)


def _tc_e(attn, values_g, W_update, b_update, mask_f, encf, bp, sp, ep,
          ln_scale, ln_bias):
    return pl.pallas_call(
        _e_body,
        grid=(NTILE,),
        in_specs=[pl.BlockSpec((NM, K_TOP), lambda k: (0, 0)),
                  pl.BlockSpec((NM * K_TOP, VD), lambda k: (0, 0)),
                  pl.BlockSpec((VD, H), lambda k: (0, 0)),
                  pl.BlockSpec((1, H), lambda k: (0, 0)),
                  pl.BlockSpec((NM, 1), lambda k: (0, 0)),
                  pl.BlockSpec((ETILE, H), lambda k: (k, 0)),
                  pl.BlockSpec((1, NM), lambda k: (0, 0)),
                  pl.BlockSpec((1, NM), lambda k: (0, 0)),
                  pl.BlockSpec((1, NM), lambda k: (0, 0)),
                  pl.BlockSpec((1, H), lambda k: (0, 0)),
                  pl.BlockSpec((1, H), lambda k: (0, 0))],
        out_specs=pl.BlockSpec((ETILE, H), lambda k: (k, 0)),
        out_shape=jax.ShapeDtypeStruct((FLAT, H), F32),
        scratch_shapes=[pltpu.VMEM((NM, H), BF16)],
    )(attn, values_g, W_update, b_update.reshape(1, H), mask_f,
      encf, bp, sp, ep, ln_scale.reshape(1, H), ln_bias.reshape(1, H))


def kernel(encoded_input, mention_batch_positions, mention_start_positions,
           mention_end_positions, mention_mask, memory_keys, memory_identifiers,
           memory_entity_ids, memory_values, W_query, b_query, W_update, b_update,
           ln_scale, ln_bias):
    encf = encoded_input.reshape(FLAT, H)
    kflat = memory_keys.reshape(MSIZE, KD)

    start_enc, end_enc = _sc_gather_se()(
        encf, mention_batch_positions, mention_start_positions,
        mention_end_positions)
    queries, ts, ti, attn_t = _tc_abc(start_enc, end_enc, W_query, b_query,
                                      kflat)

    tid_flat = ti.T.reshape(NM * K_TOP)
    values_g, eids = _sc_gather_topk()(tid_flat, memory_values,
                                       memory_entity_ids)

    attn = attn_t.T
    mask_f = mention_mask.astype(F32).reshape(NM, 1)
    enc_out = _tc_e(attn, values_g, W_update, b_update, mask_f, encf,
                    mention_batch_positions.reshape(1, NM),
                    mention_start_positions.reshape(1, NM),
                    mention_end_positions.reshape(1, NM),
                    ln_scale, ln_bias)

    return (enc_out.reshape(B, T, H), queries, attn,
            eids.reshape(NM, K_TOP))

# --- scband reference (transcript-rebuilt; emitter-appended) ---
"""Pipeline reference for scband-memory-attention-layer-21741124452850 (READ-ONLY COPY).

The authoritative reference and input builder live on the scoring server;
editing this copy changes nothing except your own understanding.
"""

import jax, jax.numpy as jnp
import numpy as np

K_TOP = 32
LN_EPS = 1e-12

def setup_inputs(seed: int = 0):
    key = jax.random.key(seed)
    ks = jax.random.split(key, 12)
    B, T, H = 4, 2048, 768
    NM = 512
    ROWS, VPR, KD = 1024, 64, 128
    MSIZE = ROWS * VPR
    VD = 128
    inp = {}
    inp['encoded_input'] = jax.random.normal(ks[0], (B, T, H), dtype=jnp.float32)
    inp['mention_batch_positions'] = jax.random.randint(ks[1], (NM,), 0, B, dtype=jnp.int32)
    inp['mention_start_positions'] = jax.random.randint(ks[2], (NM,), 0, T, dtype=jnp.int32)
    inp['mention_end_positions'] = jax.random.randint(ks[3], (NM,), 0, T, dtype=jnp.int32)
    inp['mention_mask'] = jnp.ones((NM,), dtype=jnp.int32)
    inp['memory_keys'] = jax.random.normal(ks[4], (ROWS, VPR, KD), dtype=jnp.float32) * 0.05
    inp['memory_identifiers'] = jax.random.randint(ks[5], (MSIZE,), 0, 1000000, dtype=jnp.int32)
    inp['memory_entity_ids'] = jax.random.randint(ks[6], (MSIZE,), 0, 1000000, dtype=jnp.int32)
    inp['memory_values'] = jax.random.normal(ks[7], (MSIZE, VD), dtype=jnp.float32) * 0.05
    inp['W_query'] = jax.random.normal(ks[8], (2 * H, KD), dtype=jnp.float32) * (1.0 / np.sqrt(2 * H))
    inp['b_query'] = jnp.zeros((KD,), dtype=jnp.float32)
    inp['W_update'] = jax.random.normal(ks[9], (VD, H), dtype=jnp.float32) * (1.0 / np.sqrt(VD))
    inp['b_update'] = jnp.zeros((H,), dtype=jnp.float32)
    inp['ln_scale'] = jnp.ones((H,), dtype=jnp.float32)
    inp['ln_bias'] = jnp.zeros((H,), dtype=jnp.float32)
    return inp

def reference(encoded_input, mention_batch_positions, mention_start_positions,
              mention_end_positions, mention_mask, memory_keys, memory_identifiers,
              memory_entity_ids, memory_values, W_query, b_query, W_update, b_update,
              ln_scale, ln_bias):
    rows, vpr, kd = memory_keys.shape
    # mention span encodings (matmul_2d_index_select == 2D gather)
    start_enc = encoded_input[mention_batch_positions, mention_start_positions]
    end_enc = encoded_input[mention_batch_positions, mention_end_positions]
    queries = jnp.concatenate((start_enc, end_enc), axis=-1) @ W_query + b_query
    # top-k similarity search: max within each row, then top_k across rows
    scores = jnp.einsum('qd,rvd->qrv', queries, memory_keys)
    row_top_scores = jnp.max(scores, axis=-1)
    row_top_ids = jnp.argmax(scores, axis=-1)
    top_scores, top_rows = jax.lax.top_k(row_top_scores, K_TOP)
    top_within = jnp.take_along_axis(row_top_ids, top_rows, axis=-1)
    top_ids = top_rows * vpr + top_within
    top_values = jnp.take(memory_values, top_ids, axis=0)
    top_entity_ids = jnp.take(memory_entity_ids, top_ids, axis=0)
    attn = jax.nn.softmax(top_scores, axis=-1)
    # additive retrieval update
    pooled = jnp.einsum('qk,qkd->qd', attn, top_values)
    proj = (pooled @ W_update + b_update) * mention_mask.astype(jnp.float32)[:, None]
    b, t, h = encoded_input.shape
    flat = encoded_input.reshape(b * t, h)
    pos_start = mention_batch_positions.astype(jnp.int32) * t + mention_start_positions
    pos_end = mention_batch_positions.astype(jnp.int32) * t + mention_end_positions
    flat = flat.at[pos_start].add(proj)
    flat = flat.at[pos_end].add(proj)
    enc = flat.reshape(b, t, h)
    mean = jnp.mean(enc, axis=-1, keepdims=True)
    var = jnp.var(enc, axis=-1, keepdims=True)
    enc = (enc - mean) / jnp.sqrt(var + LN_EPS) * ln_scale + ln_bias
    return enc, queries, attn, top_entity_ids

if __name__ == "__main__":
    import jax
    _d = setup_inputs()
    print(jax.jit(kernel)(*tuple(_d.values())))

</pallas_src>

<mosaic_0001>
#map = affine_map<(d0, d1) -> (0, 0)>
#map1 = affine_map<(d0, d1) -> (0)>
module attributes {stable_mosaic.version = 14 : i64} {
  func.func @k(%arg0: i32, %arg1: i32, %arg2: memref<8192x768xf32, #tpu.memory_space<hbm>>, %arg3: memref<512xi32, #tpu.memory_space<hbm>>, %arg4: memref<512xi32, #tpu.memory_space<hbm>>, %arg5: memref<512xi32, #tpu.memory_space<hbm>>, %arg6: memref<512x768xf32, #tpu.memory_space<hbm>>, %arg7: memref<512x768xf32, #tpu.memory_space<hbm>>, %arg8: memref<16xi32, #tpu.memory_space<vmem>>, %arg9: memref<16xi32, #tpu.memory_space<vmem>>, %arg10: memref<16xi32, #tpu.memory_space<vmem>>, %arg11: memref<16x768xf32, #tpu.memory_space<vmem>>, %arg12: memref<16x768xf32, #tpu.memory_space<vmem>>, %arg13: memref<!tpu.dma_semaphore, #tpu.memory_space<semaphore_mem>>) attributes {dimension_semantics = [#tpu.dimension_semantics<core_parallel>, #tpu.dimension_semantics<subcore_parallel>], iteration_bounds = array<i64: 2, 16>, scalar_prefetch = 0 : i64, scratch_operands = 6 : i64, tpu.core_type = #tpu.core_type<sc_vector_subcore>, window_params = [{transform_indices = #map}, {transform_indices = #map1}, {transform_indices = #map1}, {transform_indices = #map1}, {transform_indices = #map}, {transform_indices = #map}]} {
    %mul3A = arith.constant 2 : i32
    %mul3A_0 = arith.muli %arg1, %mul3A : i32
    %add3A = arith.addi %mul3A_0, %arg0 : i32
    %mul3A_1 = arith.constant 16 : i32
    %mul3A_2 = arith.muli %add3A, %mul3A_1 : i32
    "tpu.region"() ({
      %run_scoped3A = tpu.sem_alloc : memref<!tpu.dma_semaphore, #tpu.memory_space<semaphore_mem>>
      %dma_start3A_39 = tpu.memref_slice %arg3[%mul3A_2] : memref<512xi32, #tpu.memory_space<hbm>> -> memref<16xi32, #tpu.memory_space<hbm>>
      %dma_start3A_40 = tpu.memref_slice %arg3[%mul3A_2] : memref<512xi32, #tpu.memory_space<hbm>> -> memref<16xi32, #tpu.memory_space<hbm>>
      tpu.enqueue_dma source(%dma_start3A_40 : memref<16xi32, #tpu.memory_space<hbm>>) target(%arg8 : memref<16xi32, #tpu.memory_space<vmem>>) target_semaphore(%run_scoped3A : memref<!tpu.dma_semaphore, #tpu.memory_space<semaphore_mem>>)
      %dma_wait3A_41 = tpu.memref_slice %arg3[%mul3A_2] : memref<512xi32, #tpu.memory_space<hbm>> -> memref<16xi32, #tpu.memory_space<hbm>>
      %dma_wait3A_42 = tpu.memref_slice %arg3[%mul3A_2] : memref<512xi32, #tpu.memory_space<hbm>> -> memref<16xi32, #tpu.memory_space<hbm>>
      tpu.wait_dma2 semaphore(%run_scoped3A : memref<!tpu.dma_semaphore, #tpu.memory_space<semaphore_mem>>) src(%dma_wait3A_42 : memref<16xi32, #tpu.memory_space<hbm>>) dst(%arg8 : memref<16xi32, #tpu.memory_space<vmem>>)
      tpu.yield
    }) : () -> ()
    "tpu.region"() ({
      %run_scoped3A = tpu.sem_alloc : memref<!tpu.dma_semaphore, #tpu.memory_space<semaphore_mem>>
      %dma_start3A_39 = tpu.memref_slice %arg4[%mul3A_2] : memref<512xi32, #tpu.memory_space<hbm>> -> memref<16xi32, #tpu.memory_space<hbm>>
      %dma_start3A_40 = tpu.memref_slice %arg4[%mul3A_2] : memref<512xi32, #tpu.memory_space<hbm>> -> memref<16xi32, #tpu.memory_space<hbm>>
      tpu.enqueue_dma source(%dma_start3A_40 : memref<16xi32, #tpu.memory_space<hbm>>) target(%arg9 : memref<16xi32, #tpu.memory_space<vmem>>) target_semaphore(%run_scoped3A : memref<!tpu.dma_semaphore, #tpu.memory_space<semaphore_mem>>)
      %dma_wait3A_41 = tpu.memref_slice %arg4[%mul3A_2] : memref<512xi32, #tpu.memory_space<hbm>> -> memref<16xi32, #tpu.memory_space<hbm>>
      %dma_wait3A_42 = tpu.memref_slice %arg4[%mul3A_2] : memref<512xi32, #tpu.memory_space<hbm>> -> memref<16xi32, #tpu.memory_space<hbm>>
      tpu.wait_dma2 semaphore(%run_scoped3A : memref<!tpu.dma_semaphore, #tpu.memory_space<semaphore_mem>>) src(%dma_wait3A_42 : memref<16xi32, #tpu.memory_space<hbm>>) dst(%arg9 : memref<16xi32, #tpu.memory_space<vmem>>)
      tpu.yield
    }) : () -> ()
    "tpu.region"() ({
      %run_scoped3A = tpu.sem_alloc : memref<!tpu.dma_semaphore, #tpu.memory_space<semaphore_mem>>
      %dma_start3A_39 = tpu.memref_slice %arg5[%mul3A_2] : memref<512xi32, #tpu.memory_space<hbm>> -> memref<16xi32, #tpu.memory_space<hbm>>
      %dma_start3A_40 = tpu.memref_slice %arg5[%mul3A_2] : memref<512xi32, #tpu.memory_space<hbm>> -> memref<16xi32, #tpu.memory_space<hbm>>
      tpu.enqueue_dma source(%dma_start3A_40 : memref<16xi32, #tpu.memory_space<hbm>>) target(%arg10 : memref<16xi32, #tpu.memory_space<vmem>>) target_semaphore(%run_scoped3A : memref<!tpu.dma_semaphore, #tpu.memory_space<semaphore_mem>>)
      %dma_wait3A_41 = tpu.memref_slice %arg5[%mul3A_2] : memref<512xi32, #tpu.memory_space<hbm>> -> memref<16xi32, #tpu.memory_space<hbm>>
      %dma_wait3A_42 = tpu.memref_slice %arg5[%mul3A_2] : memref<512xi32, #tpu.memory_space<hbm>> -> memref<16xi32, #tpu.memory_space<hbm>>
      tpu.wait_dma2 semaphore(%run_scoped3A : memref<!tpu.dma_semaphore, #tpu.memory_space<semaphore_mem>>) src(%dma_wait3A_42 : memref<16xi32, #tpu.memory_space<hbm>>) dst(%arg10 : memref<16xi32, #tpu.memory_space<vmem>>)
      tpu.yield
    }) : () -> ()
    %get3A = arith.constant 0 : index
    %get3A_3 = tpu.vector_load %arg8[%get3A] {strides = array<i32>} : memref<16xi32, #tpu.memory_space<vmem>>, vector<16xi32>,
    %get3A_4 = vector.shape_cast %get3A_3 : vector<16xi32> to vector<16xi32>
    %mul3A_5 = arith.constant 2048 : i32
    %mul3A_6 = vector.broadcast %mul3A_5 : i32 to vector<16xi32>
    %mul3A_7 = arith.muli %get3A_4, %mul3A_6 : vector<16xi32>
    %get3A_8 = arith.constant 0 : index
    %get3A_9 = tpu.vector_load %arg9[%get3A_8] {strides = array<i32>} : memref<16xi32, #tpu.memory_space<vmem>>, vector<16xi32>,
    %get3A_10 = vector.shape_cast %get3A_9 : vector<16xi32> to vector<16xi32>
    %add3A_11 = arith.addi %mul3A_7, %get3A_10 : vector<16xi32>
    %swap3A = arith.constant 0 : index
    %swap3A_12 = tpu.vector_load %arg9[%swap3A] {strides = array<i32>} : memref<16xi32, #tpu.memory_space<vmem>>, vector<16xi32>,
    %swap3A_13 = vector.shape_cast %swap3A_12 : vector<16xi32> to vector<16xi32>
    %swap3A_14 = vector.shape_cast %add3A_11 : vector<16xi32> to vector<16xi32>
    tpu.vector_store %arg9[%swap3A], %swap3A_14 {strides = array<i32>} : memref<16xi32, #tpu.memory_space<vmem>>, vector<16xi32>,
    %get3A_15 = arith.constant 0 : index
    %get3A_16 = tpu.vector_load %arg8[%get3A_15] {strides = array<i32>} : memref<16xi32, #tpu.memory_space<vmem>>, vector<16xi32>,
    %get3A_17 = vector.shape_cast %get3A_16 : vector<16xi32> to vector<16xi32>
    %mul3A_18 = arith.constant 2048 : i32
    %mul3A_19 = vector.broadcast %mul3A_18 : i32 to vector<16xi32>
    %mul3A_20 = arith.muli %get3A_17, %mul3A_19 : vector<16xi32>
    %get3A_21 = arith.constant 0 : index
    %get3A_22 = tpu.vector_load %arg10[%get3A_21] {strides = array<i32>} : memref<16xi32, #tpu.memory_space<vmem>>, vector<16xi32>,
    %get3A_23 = vector.shape_cast %get3A_22 : vector<16xi32> to vector<16xi32>
    %add3A_24 = arith.addi %mul3A_20, %get3A_23 : vector<16xi32>
    %swap3A_25 = arith.constant 0 : index
    %swap3A_26 = tpu.vector_load %arg10[%swap3A_25] {strides = array<i32>} : memref<16xi32, #tpu.memory_space<vmem>>, vector<16xi32>,
    %swap3A_27 = vector.shape_cast %swap3A_26 : vector<16xi32> to vector<16xi32>
    %swap3A_28 = vector.shape_cast %add3A_24 : vector<16xi32> to vector<16xi32>
    tpu.vector_store %arg10[%swap3A_25], %swap3A_28 {strides = array<i32>} : memref<16xi32, #tpu.memory_space<vmem>>, vector<16xi32>,
    %dma_start3A = arith.constant 0 : i32
    %dma_start3A_29 = arith.constant 0 : i32
    %dma_start3A_30 = tpu.memref_slice %arg2[%dma_start3A, %dma_start3A_29] : memref<8192x768xf32, #tpu.memory_space<hbm>> -> memref<8192x768xf32, #tpu.memory_space<hbm>>
    tpu.enqueue_indirect_dma source(%dma_start3A_30 : memref<8192x768xf32, #tpu.memory_space<hbm>>) target(%arg11 : memref<16x768xf32, #tpu.memory_space<vmem>>) offsets(%arg9 : memref<16xi32, #tpu.memory_space<vmem>>) semaphore(%arg13 : memref<!tpu.dma_semaphore, #tpu.memory_space<semaphore_mem>>)
    %dma_start3A_31 = arith.constant 0 : i32
    %dma_start3A_32 = arith.constant 0 : i32
    %dma_start3A_33 = tpu.memref_slice %arg2[%dma_start3A_31, %dma_start3A_32] : memref<8192x768xf32, #tpu.memory_space<hbm>> -> memref<8192x768xf32, #tpu.memory_space<hbm>>
    tpu.enqueue_indirect_dma source(%dma_start3A_33 : memref<8192x768xf32, #tpu.memory_space<hbm>>) target(%arg12 : memref<16x768xf32, #tpu.memory_space<vmem>>) offsets(%arg10 : memref<16xi32, #tpu.memory_space<vmem>>) semaphore(%arg13 : memref<!tpu.dma_semaphore, #tpu.memory_space<semaphore_mem>>)
    %dma_wait3A = arith.constant 0 : i32
    %dma_wait3A_34 = arith.constant 0 : i32
    %dma_wait3A_35 = tpu.memref_slice %arg2[%dma_wait3A, %dma_wait3A_34] : memref<8192x768xf32, #tpu.memory_space<hbm>> -> memref<8192x768xf32, #tpu.memory_space<hbm>>
    tpu.wait_indirect_dma semaphore(%arg13 : memref<!tpu.dma_semaphore, #tpu.memory_space<semaphore_mem>>) src(%dma_wait3A_35 : memref<8192x768xf32, #tpu.memory_space<hbm>>) dst(%arg11 : memref<16x768xf32, #tpu.memory_space<vmem>>)
    %dma_wait3A_36 = arith.constant 0 : i32
    %dma_wait3A_37 = arith.constant 0 : i32
    %dma_wait3A_38 = tpu.memref_slice %arg2[%dma_wait3A_36, %dma_wait3A_37] : memref<8192x768xf32, #tpu.memory_space<hbm>> -> memref<8192x768xf32, #tpu.memory_space<hbm>>
    tpu.wait_indirect_dma semaphore(%arg13 : memref<!tpu.dma_semaphore, #tpu.memory_space<semaphore_mem>>) src(%dma_wait3A_38 : memref<8192x768xf32, #tpu.memory_space<hbm>>) dst(%arg12 : memref<16x768xf32, #tpu.memory_space<vmem>>)
    "tpu.region"() ({
      %run_scoped3A = tpu.sem_alloc : memref<!tpu.dma_semaphore, #tpu.memory_space<semaphore_mem>>
      %dma_start3A_39 = arith.constant 0 : i32
      %dma_start3A_40 = tpu.memref_slice %arg6[%mul3A_2, %dma_start3A_39] : memref<512x768xf32, #tpu.memory_space<hbm>> -> memref<16x768xf32, #tpu.memory_space<hbm>>
      %dma_start3A_41 = arith.constant 0 : i32
      %dma_start3A_42 = tpu.memref_slice %arg6[%mul3A_2, %dma_start3A_41] : memref<512x768xf32, #tpu.memory_space<hbm>> -> memref<16x768xf32, #tpu.memory_space<hbm>>
      tpu.enqueue_dma source(%arg11 : memref<16x768xf32, #tpu.memory_space<vmem>>) target(%dma_start3A_42 : memref<16x768xf32, #tpu.memory_space<hbm>>) target_semaphore(%run_scoped3A : memref<!tpu.dma_semaphore, #tpu.memory_space<semaphore_mem>>)
      %dma_wait3A_43 = arith.constant 0 : i32
      %dma_wait3A_44 = tpu.memref_slice %arg6[%mul3A_2, %dma_wait3A_43] : memref<512x768xf32, #tpu.memory_space<hbm>> -> memref<16x768xf32, #tpu.memory_space<hbm>>
      %dma_wait3A_45 = arith.constant 0 : i32
      %dma_wait3A_46 = tpu.memref_slice %arg6[%mul3A_2, %dma_wait3A_45] : memref<512x768xf32, #tpu.memory_space<hbm>> -> memref<16x768xf32, #tpu.memory_space<hbm>>
      tpu.wait_dma2 semaphore(%run_scoped3A : memref<!tpu.dma_semaphore, #tpu.memory_space<semaphore_mem>>) src(%arg11 : memref<16x768xf32, #tpu.memory_space<vmem>>) dst(%dma_wait3A_46 : memref<16x768xf32, #tpu.memory_space<hbm>>)
      tpu.yield
    }) : () -> ()
    "tpu.region"() ({
      %run_scoped3A = tpu.sem_alloc : memref<!tpu.dma_semaphore, #tpu.memory_space<semaphore_mem>>
      %dma_start3A_39 = arith.constant 0 : i32
      %dma_start3A_40 = tpu.memref_slice %arg7[%mul3A_2, %dma_start3A_39] : memref<512x768xf32, #tpu.memory_space<hbm>> -> memref<16x768xf32, #tpu.memory_space<hbm>>
      %dma_start3A_41 = arith.constant 0 : i32
      %dma_start3A_42 = tpu.memref_slice %arg7[%mul3A_2, %dma_start3A_41] : memref<512x768xf32, #tpu.memory_space<hbm>> -> memref<16x768xf32, #tpu.memory_space<hbm>>
      tpu.enqueue_dma source(%arg12 : memref<16x768xf32, #tpu.memory_space<vmem>>) target(%dma_start3A_42 : memref<16x768xf32, #tpu.memory_space<hbm>>) target_semaphore(%run_scoped3A : memref<!tpu.dma_semaphore, #tpu.memory_space<semaphore_mem>>)
      %dma_wait3A_43 = arith.constant 0 : i32
      %dma_wait3A_44 = tpu.memref_slice %arg7[%mul3A_2, %dma_wait3A_43] : memref<512x768xf32, #tpu.memory_space<hbm>> -> memref<16x768xf32, #tpu.memory_space<hbm>>
      %dma_wait3A_45 = arith.constant 0 : i32
      %dma_wait3A_46 = tpu.memref_slice %arg7[%mul3A_2, %dma_wait3A_45] : memref<512x768xf32, #tpu.memory_space<hbm>> -> memref<16x768xf32, #tpu.memory_space<hbm>>
      tpu.wait_dma2 semaphore(%run_scoped3A : memref<!tpu.dma_semaphore, #tpu.memory_space<semaphore_mem>>) src(%arg12 : memref<16x768xf32, #tpu.memory_space<vmem>>) dst(%dma_wait3A_46 : memref<16x768xf32, #tpu.memory_space<hbm>>)
      tpu.yield
    }) : () -> ()
    return
  }
}

#map = affine_map<(d0, d1) -> (0)>
#map1 = affine_map<(d0, d1) -> (0, 0)>
module attributes {stable_mosaic.version = 14 : i64} {
  func.func @k(%arg0: i32, %arg1: i32, %arg2: memref<16384xi32, #tpu.memory_space<hbm>>, %arg3: memref<65536x128xf32, #tpu.memory_space<hbm>>, %arg4: memref<65536xi32, #tpu.memory_space<hbm>>, %arg5: memref<16384x128xf32, #tpu.memory_space<hbm>>, %arg6: memref<16384xi32, #tpu.memory_space<hbm>>, %arg7: memref<512xi32, #tpu.memory_space<vmem>>, %arg8: memref<512x128xf32, #tpu.memory_space<vmem>>, %arg9: memref<512xi32, #tpu.memory_space<vmem>>, %arg10: memref<!tpu.dma_semaphore, #tpu.memory_space<semaphore_mem>>, %arg11: memref<!tpu.dma_semaphore, #tpu.memory_space<semaphore_mem>>) attributes {dimension_semantics = [#tpu.dimension_semantics<core_parallel>, #tpu.dimension_semantics<subcore_parallel>], iteration_bounds = array<i64: 2, 16>, scalar_prefetch = 0 : i64, scratch_operands = 5 : i64, tpu.core_type = #tpu.core_type<sc_vector_subcore>, window_params = [{transform_indices = #map}, {transform_indices = #map1}, {transform_indices = #map}, {transform_indices = #map1}, {transform_indices = #map}]} {
    %mul3A = arith.constant 2 : i32
    %mul3A_0 = arith.muli %arg1, %mul3A : i32
    %add3A = arith.addi %mul3A_0, %arg0 : i32
    %mul3A_1 = arith.constant 512 : i32
    %mul3A_2 = arith.muli %add3A, %mul3A_1 : i32
    "tpu.region"() ({
      %run_scoped3A = tpu.sem_alloc : memref<!tpu.dma_semaphore, #tpu.memory_space<semaphore_mem>>
      %dma_start3A_113 = tpu.memref_slice %arg2[%mul3A_2] : memref<16384xi32, #tpu.memory_space<hbm>> -> memref<512xi32, #tpu.memory_space<hbm>>
      %dma_start3A_114 = tpu.memref_slice %arg2[%mul3A_2] : memref<16384xi32, #tpu.memory_space<hbm>> -> memref<512xi32, #tpu.memory_space<hbm>>
      tpu.enqueue_dma source(%dma_start3A_114 : memref<512xi32, #tpu.memory_space<hbm>>) target(%arg7 : memref<512xi32, #tpu.memory_space<vmem>>) target_semaphore(%run_scoped3A : memref<!tpu.dma_semaphore, #tpu.memory_space<semaphore_mem>>)
      %dma_wait3A_115 = tpu.memref_slice %arg2[%mul3A_2] : memref<16384xi32, #tpu.memory_space<hbm>> -> memref<512xi32, #tpu.memory_space<hbm>>
      %dma_wait3A_116 = tpu.memref_slice %arg2[%mul3A_2] : memref<16384xi32, #tpu.memory_space<hbm>> -> memref<512xi32, #tpu.memory_space<hbm>>
      tpu.wait_dma2 semaphore(%run_scoped3A : memref<!tpu.dma_semaphore, #tpu.memory_space<semaphore_mem>>) src(%dma_wait3A_116 : memref<512xi32, #tpu.memory_space<hbm>>) dst(%arg7 : memref<512xi32, #tpu.memory_space<vmem>>)
      tpu.yield
    }) : () -> ()
    %dma_start3A = arith.constant 0 : i32
    %dma_start3A_3 = arith.constant 0 : i32
    %dma_start3A_4 = tpu.memref_slice %arg8[%dma_start3A, %dma_start3A_3] : memref<512x128xf32, #tpu.memory_space<vmem>> -> memref<128x128xf32, #tpu.memory_space<vmem>>
    %dma_start3A_5 = arith.constant 0 : i32
    %dma_start3A_6 = tpu.memref_slice %arg7[%dma_start3A_5] : memref<512xi32, #tpu.memory_space<vmem>> -> memref<128xi32, #tpu.memory_space<vmem>>
    %dma_start3A_7 = arith.constant 0 : i32
    %dma_start3A_8 = arith.constant 0 : i32
    %dma_start3A_9 = tpu.memref_slice %arg3[%dma_start3A_7, %dma_start3A_8] : memref<65536x128xf32, #tpu.memory_space<hbm>> -> memref<65536x128xf32, #tpu.memory_space<hbm>>
    tpu.enqueue_indirect_dma source(%dma_start3A_9 : memref<65536x128xf32, #tpu.memory_space<hbm>>) target(%dma_start3A_4 : memref<128x128xf32, #tpu.memory_space<vmem>>) offsets(%dma_start3A_6 : memref<128xi32, #tpu.memory_space<vmem>>) semaphore(%arg10 : memref<!tpu.dma_semaphore, #tpu.memory_space<semaphore_mem>>)
    %dma_start3A_10 = arith.constant 0 : i32
    %dma_start3A_11 = tpu.memref_slice %arg9[%dma_start3A_10] : memref<512xi32, #tpu.memory_space<vmem>> -> memref<128xi32, #tpu.memory_space<vmem>>
    %dma_start3A_12 = arith.constant 0 : i32
    %dma_start3A_13 = tpu.memref_slice %arg7[%dma_start3A_12] : memref<512xi32, #tpu.memory_space<vmem>> -> memref<128xi32, #tpu.memory_space<vmem>>
    %dma_start3A_14 = arith.constant 0 : i32
    %dma_start3A_15 = tpu.memref_slice %arg4[%dma_start3A_14] : memref<65536xi32, #tpu.memory_space<hbm>> -> memref<65536xi32, #tpu.memory_space<hbm>>
    tpu.enqueue_indirect_dma source(%dma_start3A_15 : memref<65536xi32, #tpu.memory_space<hbm>>) target(%dma_start3A_11 : memref<128xi32, #tpu.memory_space<vmem>>) offsets(%dma_start3A_13 : memref<128xi32, #tpu.memory_space<vmem>>) semaphore(%arg11 : memref<!tpu.dma_semaphore, #tpu.memory_space<semaphore_mem>>)
    %dma_start3A_16 = arith.constant 128 : i32
    %dma_start3A_17 = arith.constant 0 : i32
    %dma_start3A_18 = tpu.memref_slice %arg8[%dma_start3A_16, %dma_start3A_17] : memref<512x128xf32, #tpu.memory_space<vmem>> -> memref<128x128xf32, #tpu.memory_space<vmem>>
    %dma_start3A_19 = arith.constant 128 : i32
    %dma_start3A_20 = tpu.memref_slice %arg7[%dma_start3A_19] : memref<512xi32, #tpu.memory_space<vmem>> -> memref<128xi32, #tpu.memory_space<vmem>>
    %dma_start3A_21 = arith.constant 0 : i32
    %dma_start3A_22 = arith.constant 0 : i32
    %dma_start3A_23 = tpu.memref_slice %arg3[%dma_start3A_21, %dma_start3A_22] : memref<65536x128xf32, #tpu.memory_space<hbm>> -> memref<65536x128xf32, #tpu.memory_space<hbm>>
    tpu.enqueue_indirect_dma source(%dma_start3A_23 : memref<65536x128xf32, #tpu.memory_space<hbm>>) target(%dma_start3A_18 : memref<128x128xf32, #tpu.memory_space<vmem>>) offsets(%dma_start3A_20 : memref<128xi32, #tpu.memory_space<vmem>>) semaphore(%arg10 : memref<!tpu.dma_semaphore, #tpu.memory_space<semaphore_mem>>)
    %dma_start3A_24 = arith.constant 128 : i32
    %dma_start3A_25 = tpu.memref_slice %arg9[%dma_start3A_24] : memref<512xi32, #tpu.memory_space<vmem>> -> memref<128xi32, #tpu.memory_space<vmem>>
    %dma_start3A_26 = arith.constant 128 : i32
    %dma_start3A_27 = tpu.memref_slice %arg7[%dma_start3A_26] : memref<512xi32, #tpu.memory_space<vmem>> -> memref<128xi32, #tpu.memory_space<vmem>>
    %dma_start3A_28 = arith.constant 0 : i32
    %dma_start3A_29 = tpu.memref_slice %arg4[%dma_start3A_28] : memref<65536xi32, #tpu.memory_space<hbm>> -> memref<65536xi32, #tpu.memory_space<hbm>>
    tpu.enqueue_indirect_dma source(%dma_start3A_29 : memref<65536xi32, #tpu.memory_space<hbm>>) target(%dma_start3A_25 : memref<128xi32, #tpu.memory_space<vmem>>) offsets(%dma_start3A_27 : memref<128xi32, #tpu.memory_space<vmem>>) semaphore(%arg11 : memref<!tpu.dma_semaphore, #tpu.memory_space<semaphore_mem>>)
    %dma_start3A_30 = arith.constant 256 : i32
    %dma_start3A_31 = arith.constant 0 : i32
    %dma_start3A_32 = tpu.memref_slice %arg8[%dma_start3A_30, %dma_start3A_31] : memref<512x128xf32, #tpu.memory_space<vmem>> -> memref<128x128xf32, #tpu.memory_space<vmem>>
    %dma_start3A_33 = arith.constant 256 : i32
    %dma_start3A_34 = tpu.memref_slice %arg7[%dma_start3A_33] : memref<512xi32, #tpu.memory_space<vmem>> -> memref<128xi32, #tpu.memory_space<vmem>>
    %dma_start3A_35 = arith.constant 0 : i32
    %dma_start3A_36 = arith.constant 0 : i32
    %dma_start3A_37 = tpu.memref_slice %arg3[%dma_start3A_35, %dma_start3A_36] : memref<65536x128xf32, #tpu.memory_space<hbm>> -> memref<65536x128xf32, #tpu.memory_space<hbm>>
    tpu.enqueue_indirect_dma source(%dma_start3A_37 : memref<65536x128xf32, #tpu.memory_space<hbm>>) target(%dma_start3A_32 : memref<128x128xf32, #tpu.memory_space<vmem>>) offsets(%dma_start3A_34 : memref<128xi32, #tpu.memory_space<vmem>>) semaphore(%arg10 : memref<!tpu.dma_semaphore, #tpu.memory_space<semaphore_mem>>)
    %dma_start3A_38 = arith.constant 256 : i32
    %dma_start3A_39 = tpu.memref_slice %arg9[%dma_start3A_38] : memref<512xi32, #tpu.memory_space<vmem>> -> memref<128xi32, #tpu.memory_space<vmem>>
    %dma_start3A_40 = arith.constant 256 : i32
    %dma_start3A_41 = tpu.memref_slice %arg7[%dma_start3A_40] : memref<512xi32, #tpu.memory_space<vmem>> -> memref<128xi32, #tpu.memory_space<vmem>>
    %dma_start3A_42 = arith.constant 0 : i32
    %dma_start3A_43 = tpu.memref_slice %arg4[%dma_start3A_42] : memref<65536xi32, #tpu.memory_space<hbm>> -> memref<65536xi32, #tpu.memory_space<hbm>>
    tpu.enqueue_indirect_dma source(%dma_start3A_43 : memref<65536xi32, #tpu.memory_space<hbm>>) target(%dma_start3A_39 : memref<128xi32, #tpu.memory_space<vmem>>) offsets(%dma_start3A_41 : memref<128xi32, #tpu.memory_space<vmem>>) semaphore(%arg11 : memref<!tpu.dma_semaphore, #tpu.memory_space<semaphore_mem>>)
    %dma_start3A_44 = arith.constant 384 : i32
    %dma_start3A_45 = arith.constant 0 : i32
    %dma_start3A_46 = tpu.memref_slice %arg8[%dma_start3A_44, %dma_start3A_45] : memref<512x128xf32, #tpu.memory_space<vmem>> -> memref<128x128xf32, #tpu.memory_space<vmem>>
    %dma_start3A_47 = arith.constant 384 : i32
    %dma_start3A_48 = tpu.memref_slice %arg7[%dma_start3A_47] : memref<512xi32, #tpu.memory_space<vmem>> -> memref<128xi32, #tpu.memory_space<vmem>>
    %dma_start3A_49 = arith.constant 0 : i32
    %dma_start3A_50 = arith.constant 0 : i32
    %dma_start3A_51 = tpu.memref_slice %arg3[%dma_start3A_49, %dma_start3A_50] : memref<65536x128xf32, #tpu.memory_space<hbm>> -> memref<65536x128xf32, #tpu.memory_space<hbm>>
    tpu.enqueue_indirect_dma source(%dma_start3A_51 : memref<65536x128xf32, #tpu.memory_space<hbm>>) target(%dma_start3A_46 : memref<128x128xf32, #tpu.memory_space<vmem>>) offsets(%dma_start3A_48 : memref<128xi32, #tpu.memory_space<vmem>>) semaphore(%arg10 : memref<!tpu.dma_semaphore, #tpu.memory_space<semaphore_mem>>)
    %dma_start3A_52 = arith.constant 384 : i32
    %dma_start3A_53 = tpu.memref_slice %arg9[%dma_start3A_52] : memref<512xi32, #tpu.memory_space<vmem>> -> memref<128xi32, #tpu.memory_space<vmem>>
    %dma_start3A_54 = arith.constant 384 : i32
    %dma_start3A_55 = tpu.memref_slice %arg7[%dma_start3A_54] : memref<512xi32, #tpu.memory_space<vmem>> -> memref<128xi32, #tpu.memory_space<vmem>>
    %dma_start3A_56 = arith.constant 0 : i32
    %dma_start3A_57 = tpu.memref_slice %arg4[%dma_start3A_56] : memref<65536xi32, #tpu.memory_space<hbm>> -> memref<65536xi32, #tpu.memory_space<hbm>>
    tpu.enqueue_indirect_dma source(%dma_start3A_57 : memref<65536xi32, #tpu.memory_space<hbm>>) target(%dma_start3A_53 : memref<128xi32, #tpu.memory_space<vmem>>) offsets(%dma_start3A_55 : memref<128xi32, #tpu.memory_space<vmem>>) semaphore(%arg11 : memref<!tpu.dma_semaphore, #tpu.memory_space<semaphore_mem>>)
    %dma_wait3A = arith.constant 0 : i32
    %dma_wait3A_58 = arith.constant 0 : i32
    %dma_wait3A_59 = tpu.memref_slice %arg8[%dma_wait3A, %dma_wait3A_58] : memref<512x128xf32, #tpu.memory_space<vmem>> -> memref<128x128xf32, #tpu.memory_space<vmem>>
    %dma_wait3A_60 = arith.constant 0 : i32
    %dma_wait3A_61 = tpu.memref_slice %arg7[%dma_wait3A_60] : memref<512xi32, #tpu.memory_space<vmem>> -> memref<128xi32, #tpu.memory_space<vmem>>
    %dma_wait3A_62 = arith.constant 0 : i32
    %dma_wait3A_63 = arith.constant 0 : i32
    %dma_wait3A_64 = tpu.memref_slice %arg3[%dma_wait3A_62, %dma_wait3A_63] : memref<65536x128xf32, #tpu.memory_space<hbm>> -> memref<65536x128xf32, #tpu.memory_space<hbm>>
    tpu.wait_indirect_dma semaphore(%arg10 : memref<!tpu.dma_semaphore, #tpu.memory_space<semaphore_mem>>) src(%dma_wait3A_64 : memref<65536x128xf32, #tpu.memory_space<hbm>>) dst(%dma_wait3A_59 : memref<128x128xf32, #tpu.memory_space<vmem>>)
    %dma_wait3A_65 = arith.constant 0 : i32
    %dma_wait3A_66 = tpu.memref_slice %arg9[%dma_wait3A_65] : memref<512xi32, #tpu.memory_space<vmem>> -> memref<128xi32, #tpu.memory_space<vmem>>
    %dma_wait3A_67 = arith.constant 0 : i32
    %dma_wait3A_68 = tpu.memref_slice %arg7[%dma_wait3A_67] : memref<512xi32, #tpu.memory_space<vmem>> -> memref<128xi32, #tpu.memory_space<vmem>>
    %dma_wait3A_69 = arith.constant 0 : i32
    %dma_wait3A_70 = tpu.memref_slice %arg4[%dma_wait3A_69] : memref<65536xi32, #tpu.memory_space<hbm>> -> memref<65536xi32, #tpu.memory_space<hbm>>
    tpu.wait_indirect_dma semaphore(%arg11 : memref<!tpu.dma_semaphore, #tpu.memory_space<semaphore_mem>>) src(%dma_wait3A_70 : memref<65536xi32, #tpu.memory_space<hbm>>) dst(%dma_wait3A_66 : memref<128xi32, #tpu.memory_space<vmem>>)
    %dma_wait3A_71 = arith.constant 128 : i32
    %dma_wait3A_72 = arith.constant 0 : i32
    %dma_wait3A_73 = tpu.memref_slice %arg8[%dma_wait3A_71, %dma_wait3A_72] : memref<512x128xf32, #tpu.memory_space<vmem>> -> memref<128x128xf32, #tpu.memory_space<vmem>>
    %dma_wait3A_74 = arith.constant 128 : i32
    %dma_wait3A_75 = tpu.memref_slice %arg7[%dma_wait3A_74] : memref<512xi32, #tpu.memory_space<vmem>> -> memref<128xi32, #tpu.memory_space<vmem>>
    %dma_wait3A_76 = arith.constant 0 : i32
    %dma_wait3A_77 = arith.constant 0 : i32
    %dma_wait3A_78 = tpu.memref_slice %arg3[%dma_wait3A_76, %dma_wait3A_77] : memref<65536x128xf32, #tpu.memory_space<hbm>> -> memref<65536x128xf32, #tpu.memory_space<hbm>>
    tpu.wait_indirect_dma semaphore(%arg10 : memref<!tpu.dma_semaphore, #tpu.memory_space<semaphore_mem>>) src(%dma_wait3A_78 : memref<65536x128xf32, #tpu.memory_space<hbm>>) dst(%dma_wait3A_73 : memref<128x128xf32, #tpu.memory_space<vmem>>)
    %dma_wait3A_79 = arith.constant 128 : i32
    %dma_wait3A_80 = tpu.memref_slice %arg9[%dma_wait3A_79] : memref<512xi32, #tpu.memory_space<vmem>> -> memref<128xi32, #tpu.memory_space<vmem>>
    %dma_wait3A_81 = arith.constant 128 : i32
    %dma_wait3A_82 = tpu.memref_slice %arg7[%dma_wait3A_81] : memref<512xi32, #tpu.memory_space<vmem>> -> memref<128xi32, #tpu.memory_space<vmem>>
    %dma_wait3A_83 = arith.constant 0 : i32
    %dma_wait3A_84 = tpu.memref_slice %arg4[%dma_wait3A_83] : memref<65536xi32, #tpu.memory_space<hbm>> -> memref<65536xi32, #tpu.memory_space<hbm>>
    tpu.wait_indirect_dma semaphore(%arg11 : memref<!tpu.dma_semaphore, #tpu.memory_space<semaphore_mem>>) src(%dma_wait3A_84 : memref<65536xi32, #tpu.memory_space<hbm>>) dst(%dma_wait3A_80 : memref<128xi32, #tpu.memory_space<vmem>>)
    %dma_wait3A_85 = arith.constant 256 : i32
    %dma_wait3A_86 = arith.constant 0 : i32
    %dma_wait3A_87 = tpu.memref_slice %arg8[%dma_wait3A_85, %dma_wait3A_86] : memref<512x128xf32, #tpu.memory_space<vmem>> -> memref<128x128xf32, #tpu.memory_space<vmem>>
    %dma_wait3A_88 = arith.constant 256 : i32
    %dma_wait3A_89 = tpu.memref_slice %arg7[%dma_wait3A_88] : memref<512xi32, #tpu.memory_space<vmem>> -> memref<128xi32, #tpu.memory_space<vmem>>
    %dma_wait3A_90 = arith.constant 0 : i32
    %dma_wait3A_91 = arith.constant 0 : i32
    %dma_wait3A_92 = tpu.memref_slice %arg3[%dma_wait3A_90, %dma_wait3A_91] : memref<65536x128xf32, #tpu.memory_space<hbm>> -> memref<65536x128xf32, #tpu.memory_space<hbm>>
    tpu.wait_indirect_dma semaphore(%arg10 : memref<!tpu.dma_semaphore, #tpu.memory_space<semaphore_mem>>) src(%dma_wait3A_92 : memref<65536x128xf32, #tpu.memory_space<hbm>>) dst(%dma_wait3A_87 : memref<128x128xf32, #tpu.memory_space<vmem>>)
    %dma_wait3A_93 = arith.constant 256 : i32
    %dma_wait3A_94 = tpu.memref_slice %arg9[%dma_wait3A_93] : memref<512xi32, #tpu.memory_space<vmem>> -> memref<128xi32, #tpu.memory_space<vmem>>
    %dma_wait3A_95 = arith.constant 256 : i32
    %dma_wait3A_96 = tpu.memref_slice %arg7[%dma_wait3A_95] : memref<512xi32, #tpu.memory_space<vmem>> -> memref<128xi32, #tpu.memory_space<vmem>>
    %dma_wait3A_97 = arith.constant 0 : i32
    %dma_wait3A_98 = tpu.memref_slice %arg4[%dma_wait3A_97] : memref<65536xi32, #tpu.memory_space<hbm>> -> memref<65536xi32, #tpu.memory_space<hbm>>
    tpu.wait_indirect_dma semaphore(%arg11 : memref<!tpu.dma_semaphore, #tpu.memory_space<semaphore_mem>>) src(%dma_wait3A_98 : memref<65536xi32, #tpu.memory_space<hbm>>) dst(%dma_wait3A_94 : memref<128xi32, #tpu.memory_space<vmem>>)
    %dma_wait3A_99 = arith.constant 384 : i32
    %dma_wait3A_100 = arith.constant 0 : i32
    %dma_wait3A_101 = tpu.memref_slice %arg8[%dma_wait3A_99, %dma_wait3A_100] : memref<512x128xf32, #tpu.memory_space<vmem>> -> memref<128x128xf32, #tpu.memory_space<vmem>>
    %dma_wait3A_102 = arith.constant 384 : i32
    %dma_wait3A_103 = tpu.memref_slice %arg7[%dma_wait3A_102] : memref<512xi32, #tpu.memory_space<vmem>> -> memref<128xi32, #tpu.memory_space<vmem>>
    %dma_wait3A_104 = arith.constant 0 : i32
    %dma_wait3A_105 = arith.constant 0 : i32
    %dma_wait3A_106 = tpu.memref_slice %arg3[%dma_wait3A_104, %dma_wait3A_105] : memref<65536x128xf32, #tpu.memory_space<hbm>> -> memref<65536x128xf32, #tpu.memory_space<hbm>>
    tpu.wait_indirect_dma semaphore(%arg10 : memref<!tpu.dma_semaphore, #tpu.memory_space<semaphore_mem>>) src(%dma_wait3A_106 : memref<65536x128xf32, #tpu.memory_space<hbm>>) dst(%dma_wait3A_101 : memref<128x128xf32, #tpu.memory_space<vmem>>)
    %dma_wait3A_107 = arith.constant 384 : i32
    %dma_wait3A_108 = tpu.memref_slice %arg9[%dma_wait3A_107] : memref<512xi32, #tpu.memory_space<vmem>> -> memref<128xi32, #tpu.memory_space<vmem>>
    %dma_wait3A_109 = arith.constant 384 : i32
    %dma_wait3A_110 = tpu.memref_slice %arg7[%dma_wait3A_109] : memref<512xi32, #tpu.memory_space<vmem>> -> memref<128xi32, #tpu.memory_space<vmem>>
    %dma_wait3A_111 = arith.constant 0 : i32
    %dma_wait3A_112 = tpu.memref_slice %arg4[%dma_wait3A_111] : memref<65536xi32, #tpu.memory_space<hbm>> -> memref<65536xi32, #tpu.memory_space<hbm>>
    tpu.wait_indirect_dma semaphore(%arg11 : memref<!tpu.dma_semaphore, #tpu.memory_space<semaphore_mem>>) src(%dma_wait3A_112 : memref<65536xi32, #tpu.memory_space<hbm>>) dst(%dma_wait3A_108 : memref<128xi32, #tpu.memory_space<vmem>>)
    "tpu.region"() ({
      %run_scoped3A = tpu.sem_alloc : memref<!tpu.dma_semaphore, #tpu.memory_space<semaphore_mem>>
      %dma_start3A_113 = arith.constant 0 : i32
      %dma_start3A_114 = tpu.memref_slice %arg5[%mul3A_2, %dma_start3A_113] : memref<16384x128xf32, #tpu.memory_space<hbm>> -> memref<512x128xf32, #tpu.memory_space<hbm>>
      %dma_start3A_115 = arith.constant 0 : i32
      %dma_start3A_116 = tpu.memref_slice %arg5[%mul3A_2, %dma_start3A_115] : memref<16384x128xf32, #tpu.memory_space<hbm>> -> memref<512x128xf32, #tpu.memory_space<hbm>>
      tpu.enqueue_dma source(%arg8 : memref<512x128xf32, #tpu.memory_space<vmem>>) target(%dma_start3A_116 : memref<512x128xf32, #tpu.memory_space<hbm>>) target_semaphore(%run_scoped3A : memref<!tpu.dma_semaphore, #tpu.memory_space<semaphore_mem>>)
      %dma_wait3A_117 = arith.constant 0 : i32
      %dma_wait3A_118 = tpu.memref_slice %arg5[%mul3A_2, %dma_wait3A_117] : memref<16384x128xf32, #tpu.memory_space<hbm>> -> memref<512x128xf32, #tpu.memory_space<hbm>>
      %dma_wait3A_119 = arith.constant 0 : i32
      %dma_wait3A_120 = tpu.memref_slice %arg5[%mul3A_2, %dma_wait3A_119] : memref<16384x128xf32, #tpu.memory_space<hbm>> -> memref<512x128xf32, #tpu.memory_space<hbm>>
      tpu.wait_dma2 semaphore(%run_scoped3A : memref<!tpu.dma_semaphore, #tpu.memory_space<semaphore_mem>>) src(%arg8 : memref<512x128xf32, #tpu.memory_space<vmem>>) dst(%dma_wait3A_120 : memref<512x128xf32, #tpu.memory_space<hbm>>)
      tpu.yield
    }) : () -> ()
    "tpu.region"() ({
      %run_scoped3A = tpu.sem_alloc : memref<!tpu.dma_semaphore, #tpu.memory_space<semaphore_mem>>
      %dma_start3A_113 = tpu.memref_slice %arg6[%mul3A_2] : memref<16384xi32, #tpu.memory_space<hbm>> -> memref<512xi32, #tpu.memory_space<hbm>>
      %dma_start3A_114 = tpu.memref_slice %arg6[%mul3A_2] : memref<16384xi32, #tpu.memory_space<hbm>> -> memref<512xi32, #tpu.memory_space<hbm>>
      tpu.enqueue_dma source(%arg9 : memref<512xi32, #tpu.memory_space<vmem>>) target(%dma_start3A_114 : memref<512xi32, #tpu.memory_space<hbm>>) target_semaphore(%run_scoped3A : memref<!tpu.dma_semaphore, #tpu.memory_space<semaphore_mem>>)
      %dma_wait3A_115 = tpu.memref_slice %arg6[%mul3A_2] : memref<16384xi32, #tpu.memory_space<hbm>> -> memref<512xi32, #tpu.memory_space<hbm>>
      %dma_wait3A_116 = tpu.memref_slice %arg6[%mul3A_2] : memref<16384xi32, #tpu.memory_space<hbm>> -> memref<512xi32, #tpu.memory_space<hbm>>
      tpu.wait_dma2 semaphore(%run_scoped3A : memref<!tpu.dma_semaphore, #tpu.memory_space<semaphore_mem>>) src(%arg9 : memref<512xi32, #tpu.memory_space<vmem>>) dst(%dma_wait3A_116 : memref<512xi32, #tpu.memory_space<hbm>>)
      tpu.yield
    }) : () -> ()
    return
  }
}

module attributes {stable_mosaic.version = 14 : i64} {
  func.func @_abc_body(%arg0: i32, %arg1: memref<512x768xf32, #tpu.memory_space<vmem>>, %arg2: memref<512x768xf32, #tpu.memory_space<vmem>>, %arg3: memref<1536x128xf32, #tpu.memory_space<vmem>>, %arg4: memref<1x128xf32, #tpu.memory_space<vmem>>, %arg5: memref<4096x128xf32, #tpu.memory_space<vmem>>, %arg6: memref<512x128xf32, #tpu.memory_space<vmem>>, %arg7: memref<32x512xf32, #tpu.memory_space<vmem>>, %arg8: memref<32x512xi32, #tpu.memory_space<vmem>>, %arg9: memref<32x512xf32, #tpu.memory_space<vmem>>, %arg10: memref<512x128xf32, #tpu.memory_space<vmem>>, %arg11: memref<1024x512xf32, #tpu.memory_space<vmem>>, %arg12: memref<1024x512xi32, #tpu.memory_space<vmem>>) attributes {dimension_semantics = [#tpu.dimension_semantics<arbitrary>], iteration_bounds = array<i64: 16>, scalar_prefetch = 0 : i64, scratch_operands = 3 : i64, tpu.core_type = #tpu.core_type<tc>, window_params = [{pipeline_mode = #tpu.pipeline_mode<synchronous>, transform_indices = @transform_0, window_bounds = array<i64: 512, 768>}, {pipeline_mode = #tpu.pipeline_mode<synchronous>, transform_indices = @transform_1, window_bounds = array<i64: 512, 768>}, {pipeline_mode = #tpu.pipeline_mode<synchronous>, transform_indices = @transform_2, window_bounds = array<i64: 1536, 128>}, {pipeline_mode = #tpu.pipeline_mode<synchronous>, transform_indices = @transform_3, window_bounds = array<i64: 1, 128>}, {transform_indices = @transform_4, window_bounds = array<i64: 4096, 128>}, {pipeline_mode = #tpu.pipeline_mode<synchronous>, transform_indices = @transform_5, window_bounds = array<i64: 512, 128>}, {pipeline_mode = #tpu.pipeline_mode<synchronous>, transform_indices = @transform_6, window_bounds = array<i64: 32, 512>}, {pipeline_mode = #tpu.pipeline_mode<synchronous>, transform_indices = @transform_7, window_bounds = array<i64: 32, 512>}, {pipeline_mode = #tpu.pipeline_mode<synchronous>, transform_indices = @transform_8, window_bounds = array<i64: 32, 512>}]} {
    %eq3A = arith.constant 0 : i32
    %eq3A_0 = arith.cmpi eq, %arg0, %eq3A : i32
    %convert_element_type3A = arith.extui %eq3A_0 : i1 to i32
    %cond3A = arith.constant 0 : i32
    %cond3A_1 = arith.cmpi ne, %convert_element_type3A, %cond3A : i32
    scf.if %cond3A_1 {
      %get3A_36 = arith.constant 0 : index
      %get3A_37 = arith.constant 0 : index
      %get3A_38 = vector.load %arg1[%get3A_36, %get3A_37] : memref<512x768xf32, #tpu.memory_space<vmem>>, vector<512x768xf32>
      %get3A_39 = arith.constant 0 : index
      %get3A_40 = arith.constant 0 : index
      %get3A_41 = vector.load %arg2[%get3A_39, %get3A_40] : memref<512x768xf32, #tpu.memory_space<vmem>>, vector<512x768xf32>
      %concatenate3A = tpu.concatenate %get3A_38, %get3A_41 in 1 : vector<512x768xf32>, vector<512x768xf32> -> vector<512x1536xf32>
      %convert_element_type3A_42 = arith.truncf %concatenate3A : vector<512x1536xf32> to vector<512x1536xbf16>
      %get3A_43 = arith.constant 0 : index
      %get3A_44 = arith.constant 0 : index
      %get3A_45 = vector.load %arg3[%get3A_43, %get3A_44] : memref<1536x128xf32, #tpu.memory_space<vmem>>, vector<1536x128xf32>
      %convert_element_type3A_46 = arith.truncf %get3A_45 : vector<1536x128xf32> to vector<1536x128xbf16>
      %slice3A = vector.extract_strided_slice %convert_element_type3A_42 {offsets = [0, 0], sizes = [512, 256], strides = [1, 1]} : vector<512x1536xbf16> to vector<512x256xbf16>
      %slice3A_47 = vector.extract_strided_slice %convert_element_type3A_46 {offsets = [0, 0], sizes = [256, 128], strides = [1, 1]} : vector<1536x128xbf16> to vector<256x128xbf16>
      %dot_general3A_48 = arith.constant dense<0.000000e+00> : vector<512x128xf32>
      %dot_general3A_49 = tpu.matmul %slice3A, %slice3A_47, %dot_general3A_48 {dimension_numbers = #tpu.dot_dimension_numbers<[1], [0], [0], [1], [0, 0, 1, 1], [], []>, transpose_lhs_hint = false} : vector<512x256xbf16>, vector<256x128xbf16>, vector<512x128xf32> -> vector<512x128xf32>
      %slice3A_50 = vector.extract_strided_slice %convert_element_type3A_42 {offsets = [0, 256], sizes = [512, 256], strides = [1, 1]} : vector<512x1536xbf16> to vector<512x256xbf16>
      %slice3A_51 = vector.extract_strided_slice %convert_element_type3A_46 {offsets = [256, 0], sizes = [256, 128], strides = [1, 1]} : vector<1536x128xbf16> to vector<256x128xbf16>
      %dot_general3A_52 = arith.constant dense<0.000000e+00> : vector<512x128xf32>
      %dot_general3A_53 = tpu.matmul %slice3A_50, %slice3A_51, %dot_general3A_52 {dimension_numbers = #tpu.dot_dimension_numbers<[1], [0], [0], [1], [0, 0, 1, 1], [], []>, transpose_lhs_hint = false} : vector<512x256xbf16>, vector<256x128xbf16>, vector<512x128xf32> -> vector<512x128xf32>
      %add3A_54 = arith.addf %dot_general3A_49, %dot_general3A_53 : vector<512x128xf32>
      %slice3A_55 = vector.extract_strided_slice %convert_element_type3A_42 {offsets = [0, 512], sizes = [512, 256], strides = [1, 1]} : vector<512x1536xbf16> to vector<512x256xbf16>
      %slice3A_56 = vector.extract_strided_slice %convert_element_type3A_46 {offsets = [512, 0], sizes = [256, 128], strides = [1, 1]} : vector<1536x128xbf16> to vector<256x128xbf16>
      %dot_general3A_57 = arith.constant dense<0.000000e+00> : vector<512x128xf32>
      %dot_general3A_58 = tpu.matmul %slice3A_55, %slice3A_56, %dot_general3A_57 {dimension_numbers = #tpu.dot_dimension_numbers<[1], [0], [0], [1], [0, 0, 1, 1], [], []>, transpose_lhs_hint = false} : vector<512x256xbf16>, vector<256x128xbf16>, vector<512x128xf32> -> vector<512x128xf32>
      %add3A_59 = arith.addf %add3A_54, %dot_general3A_58 : vector<512x128xf32>
      %slice3A_60 = vector.extract_strided_slice %convert_element_type3A_42 {offsets = [0, 768], sizes = [512, 256], strides = [1, 1]} : vector<512x1536xbf16> to vector<512x256xbf16>
      %slice3A_61 = vector.extract_strided_slice %convert_element_type3A_46 {offsets = [768, 0], sizes = [256, 128], strides = [1, 1]} : vector<1536x128xbf16> to vector<256x128xbf16>
      %dot_general3A_62 = arith.constant dense<0.000000e+00> : vector<512x128xf32>
      %dot_general3A_63 = tpu.matmul %slice3A_60, %slice3A_61, %dot_general3A_62 {dimension_numbers = #tpu.dot_dimension_numbers<[1], [0], [0], [1], [0, 0, 1, 1], [], []>, transpose_lhs_hint = false} : vector<512x256xbf16>, vector<256x128xbf16>, vector<512x128xf32> -> vector<512x128xf32>
      %add3A_64 = arith.addf %add3A_59, %dot_general3A_63 : vector<512x128xf32>
      %slice3A_65 = vector.extract_strided_slice %convert_element_type3A_42 {offsets = [0, 1024], sizes = [512, 256], strides = [1, 1]} : vector<512x1536xbf16> to vector<512x256xbf16>
      %slice3A_66 = vector.extract_strided_slice %convert_element_type3A_46 {offsets = [1024, 0], sizes = [256, 128], strides = [1, 1]} : vector<1536x128xbf16> to vector<256x128xbf16>
      %dot_general3A_67 = arith.constant dense<0.000000e+00> : vector<512x128xf32>
      %dot_general3A_68 = tpu.matmul %slice3A_65, %slice3A_66, %dot_general3A_67 {dimension_numbers = #tpu.dot_dimension_numbers<[1], [0], [0], [1], [0, 0, 1, 1], [], []>, transpose_lhs_hint = false} : vector<512x256xbf16>, vector<256x128xbf16>, vector<512x128xf32> -> vector<512x128xf32>
      %add3A_69 = arith.addf %add3A_64, %dot_general3A_68 : vector<512x128xf32>
      %slice3A_70 = vector.extract_strided_slice %convert_element_type3A_42 {offsets = [0, 1280], sizes = [512, 256], strides = [1, 1]} : vector<512x1536xbf16> to vector<512x256xbf16>
      %slice3A_71 = vector.extract_strided_slice %convert_element_type3A_46 {offsets = [1280, 0], sizes = [256, 128], strides = [1, 1]} : vector<1536x128xbf16> to vector<256x128xbf16>
      %dot_general3A_72 = arith.constant dense<0.000000e+00> : vector<512x128xf32>
      %dot_general3A_73 = tpu.matmul %slice3A_70, %slice3A_71, %dot_general3A_72 {dimension_numbers = #tpu.dot_dimension_numbers<[1], [0], [0], [1], [0, 0, 1, 1], [], []>, transpose_lhs_hint = false} : vector<512x256xbf16>, vector<256x128xbf16>, vector<512x128xf32> -> vector<512x128xf32>
      %add3A_74 = arith.addf %add3A_69, %dot_general3A_73 : vector<512x128xf32>
      %get3A_75 = arith.constant 0 : index
      %get3A_76 = arith.constant 0 : index
      %get3A_77 = vector.load %arg4[%get3A_75, %get3A_76] : memref<1x128xf32, #tpu.memory_space<vmem>>, vector<1x128xf32>
      %add3A_78 = vector.broadcast %get3A_77 : vector<1x128xf32> to vector<512x128xf32>
      %add3A_79 = arith.addf %add3A_74, %add3A_78 : vector<512x128xf32>
      %swap3A_80 = arith.constant 0 : index
      %swap3A_81 = arith.constant 0 : index
      %swap3A_82 = vector.load %arg6[%swap3A_80, %swap3A_81] : memref<512x128xf32, #tpu.memory_space<vmem>>, vector<512x128xf32>
      tpu.vector_store %arg6[%swap3A_80, %swap3A_81], %add3A_79 {strides = array<i32>} : memref<512x128xf32, #tpu.memory_space<vmem>>, vector<512x128xf32>,
      %swap3A_83 = arith.constant 0 : index
      %swap3A_84 = arith.constant 0 : index
      %swap3A_85 = vector.load %arg10[%swap3A_83, %swap3A_84] : memref<512x128xf32, #tpu.memory_space<vmem>>, vector<512x128xf32>
      tpu.vector_store %arg10[%swap3A_83, %swap3A_84], %add3A_79 {strides = array<i32>} : memref<512x128xf32, #tpu.memory_space<vmem>>, vector<512x128xf32>,
    } else {
    }
    %get3A = arith.constant 0 : index
    %get3A_2 = arith.constant 0 : index
    %get3A_3 = vector.load %arg5[%get3A, %get3A_2] : memref<4096x128xf32, #tpu.memory_space<vmem>>, vector<4096x128xf32>
    %convert_element_type3A_4 = arith.truncf %get3A_3 : vector<4096x128xf32> to vector<4096x128xbf16>
    %get3A_5 = arith.constant 0 : index
    %get3A_6 = arith.constant 0 : index
    %get3A_7 = vector.load %arg10[%get3A_5, %get3A_6] : memref<512x128xf32, #tpu.memory_space<vmem>>, vector<512x128xf32>
    %convert_element_type3A_8 = arith.truncf %get3A_7 : vector<512x128xf32> to vector<512x128xbf16>
    %dot_general3A = arith.constant dense<0.000000e+00> : vector<4096x512xf32>
    %dot_general3A_9 = tpu.matmul %convert_element_type3A_4, %convert_element_type3A_8, %dot_general3A {dimension_numbers = #tpu.dot_dimension_numbers<[1], [1], [0], [0], [0, 0, 1, 0], [], []>, transpose_lhs_hint = false} : vector<4096x128xbf16>, vector<512x128xbf16>, vector<4096x512xf32> -> vector<4096x512xf32>
    %reshape3A = vector.shape_cast %dot_general3A_9 : vector<4096x512xf32> to vector<64x64x512xf32>
    %reduce_max3A = arith.constant dense<0xFF800000> : vector<64x512xf32>
    %reduce_max3A_10 = vector.multi_reduction <maximumf>, %reshape3A, %reduce_max3A [1] : vector<64x64x512xf32> to vector<64x512xf32>
    %iota3A = tpu.iota {dimensions = array<i32: 1>} : vector<64x64x512xi32>
    %broadcast_in_dim3A = vector.shape_cast %reduce_max3A_10 : vector<64x512xf32> to vector<64x1x512xf32>
    %eq3A_11 = vector.broadcast %broadcast_in_dim3A : vector<64x1x512xf32> to vector<64x64x512xf32>
    %eq3A_12 = arith.cmpf oeq, %reshape3A, %eq3A_11 : vector<64x64x512xf32>
    %jit3A = arith.constant 64 : i32
    %broadcast_in_dim3A_13 = vector.broadcast %jit3A : i32 to vector<64x64x512xi32>
    %select_n3A = arith.select %eq3A_12, %iota3A, %broadcast_in_dim3A_13 : vector<64x64x512xi1>, vector<64x64x512xi32>
    %reduce_min3A = arith.constant dense<2147483647> : vector<64x512xi32>
    %reduce_min3A_14 = vector.multi_reduction <minsi>, %select_n3A, %reduce_min3A [1] : vector<64x64x512xi32> to vector<64x512xi32>
    %mul3A = arith.constant 64 : i32
    %mul3A_15 = arith.muli %arg0, %mul3A : i32
    %iota3A_16 = tpu.iota {dimensions = array<i32: 0>} : vector<64x512xi32>
    %add3A = vector.broadcast %mul3A_15 : i32 to vector<64x512xi32>
    %add3A_17 = arith.addi %add3A, %iota3A_16 : vector<64x512xi32>
    %mul3A_18 = arith.constant 64 : i32
    %mul3A_19 = arith.muli %arg0, %mul3A_18 : i32
    %swap3A = arith.index_cast %mul3A_19 : i32 to index
    %swap3A_20 = arith.constant 0 : index
    %swap3A_21 = vector.load %arg11[%swap3A, %swap3A_20] : memref<1024x512xf32, #tpu.memory_space<vmem>>, vector<64x512xf32>
    tpu.vector_store %arg11[%swap3A, %swap3A_20], %reduce_max3A_10 {strides = array<i32>} : memref<1024x512xf32, #tpu.memory_space<vmem>>, vector<64x512xf32>,
    %mul3A_22 = arith.constant 64 : i32
    %mul3A_23 = vector.broadcast %mul3A_22 : i32 to vector<64x512xi32>
    %mul3A_24 = arith.muli %add3A_17, %mul3A_23 : vector<64x512xi32>
    %add3A_25 = arith.addi %mul3A_24, %reduce_min3A_14 : vector<64x512xi32>
    %mul3A_26 = arith.constant 64 : i32
    %mul3A_27 = arith.muli %arg0, %mul3A_26 : i32
    %swap3A_28 = arith.index_cast %mul3A_27 : i32 to index
    %swap3A_29 = arith.constant 0 : index
    %swap3A_30 = vector.load %arg12[%swap3A_28, %swap3A_29] : memref<1024x512xi32, #tpu.memory_space<vmem>>, vector<64x512xi32>
    tpu.vector_store %arg12[%swap3A_28, %swap3A_29], %add3A_25 {strides = array<i32>} : memref<1024x512xi32, #tpu.memory_space<vmem>>, vector<64x512xi32>,
    %eq3A_31 = arith.constant 15 : i32
    %eq3A_32 = arith.cmpi eq, %arg0, %eq3A_31 : i32
    %convert_element_type3A_33 = arith.extui %eq3A_32 : i1 to i32
    %cond3A_34 = arith.constant 0 : i32
    %cond3A_35 = arith.cmpi ne, %convert_element_type3A_33, %cond3A_34 : i32
    scf.if %cond3A_35 {
      %get3A_36 = arith.constant 0 : index
      %get3A_37 = arith.constant 0 : index
      %get3A_38 = vector.load %arg11[%get3A_36, %get3A_37] : memref<1024x512xf32, #tpu.memory_space<vmem>>, vector<1024x512xf32>
      %get3A_39 = arith.constant 0 : index
      %get3A_40 = arith.constant 0 : index
      %get3A_41 = vector.load %arg12[%get3A_39, %get3A_40] : memref<1024x512xi32, #tpu.memory_space<vmem>>, vector<1024x512xi32>
      %reduce_max3A_42 = arith.constant dense<0xFF800000> : vector<512xf32>
      %reduce_max3A_43 = vector.multi_reduction <maximumf>, %get3A_38, %reduce_max3A_42 [0] : vector<1024x512xf32> to vector<512xf32>
      %broadcast_in_dim3A_44 = vector.shape_cast %reduce_max3A_43 : vector<512xf32> to vector<1x512xf32>
      %eq3A_45 = vector.broadcast %broadcast_in_dim3A_44 : vector<1x512xf32> to vector<1024x512xf32>
      %eq3A_46 = arith.cmpf oeq, %get3A_38, %eq3A_45 : vector<1024x512xf32>
      %jit3A_47 = arith.constant 65536 : i32
      %broadcast_in_dim3A_48 = vector.broadcast %jit3A_47 : i32 to vector<1024x512xi32>
      %select_n3A_49 = arith.select %eq3A_46, %get3A_41, %broadcast_in_dim3A_48 : vector<1024x512xi1>, vector<1024x512xi32>
      %reduce_min3A_50 = arith.constant dense<2147483647> : vector<512xi32>
      %reduce_min3A_51 = vector.multi_reduction <minsi>, %select_n3A_49, %reduce_min3A_50 [0] : vector<1024x512xi32> to vector<512xi32>
      %broadcast_in_dim3A_52 = vector.shape_cast %reduce_min3A_51 : vector<512xi32> to vector<1x512xi32>
      %shift_right_arithmetic3A = arith.constant 6 : i32
      %shift_right_arithmetic3A_53 = vector.broadcast %shift_right_arithmetic3A : i32 to vector<1024x512xi32>
      %shift_right_arithmetic3A_54 = arith.shrsi %get3A_41, %shift_right_arithmetic3A_53 : vector<1024x512xi32>
      %shift_right_arithmetic3A_55 = arith.constant 6 : i32
      %shift_right_arithmetic3A_56 = vector.broadcast %shift_right_arithmetic3A_55 : i32 to vector<1x512xi32>
      %shift_right_arithmetic3A_57 = arith.shrsi %broadcast_in_dim3A_52, %shift_right_arithmetic3A_56 : vector<1x512xi32>
      %eq3A_58 = vector.broadcast %shift_right_arithmetic3A_57 : vector<1x512xi32> to vector<1024x512xi32>
      %eq3A_59 = arith.cmpi eq, %shift_right_arithmetic3A_54, %eq3A_58 : vector<1024x512xi32>
      %swap3A_60 = arith.constant 0 : index
      %swap3A_61 = arith.constant 0 : index
      %swap3A_62 = vector.load %arg7[%swap3A_60, %swap3A_61] : memref<32x512xf32, #tpu.memory_space<vmem>>, vector<1x512xf32>
      tpu.vector_store %arg7[%swap3A_60, %swap3A_61], %broadcast_in_dim3A_44 {strides = array<i32>} : memref<32x512xf32, #tpu.memory_space<vmem>>, vector<1x512xf32>,
      %swap3A_63 = arith.constant 0 : index
      %swap3A_64 = arith.constant 0 : index
      %swap3A_65 = vector.load %arg8[%swap3A_63, %swap3A_64] : memref<32x512xi32, #tpu.memory_space<vmem>>, vector<1x512xi32>
      tpu.vector_store %arg8[%swap3A_63, %swap3A_64], %broadcast_in_dim3A_52 {strides = array<i32>} : memref<32x512xi32, #tpu.memory_space<vmem>>, vector<1x512xi32>,
      %jit3A_66 = arith.constant 0xFF800000 : f32
      %broadcast_in_dim3A_67 = vector.broadcast %jit3A_66 : f32 to vector<1024x512xf32>
      %select_n3A_68 = arith.select %eq3A_59, %broadcast_in_dim3A_67, %get3A_38 : vector<1024x512xi1>, vector<1024x512xf32>
      %reduce_max3A_69 = arith.constant dense<0xFF800000> : vector<512xf32>
      %reduce_max3A_70 = vector.multi_reduction <maximumf>, %select_n3A_68, %reduce_max3A_69 [0] : vector<1024x512xf32> to vector<512xf32>
      %broadcast_in_dim3A_71 = vector.shape_cast %reduce_max3A_70 : vector<512xf32> to vector<1x512xf32>
      %eq3A_72 = vector.broadcast %broadcast_in_dim3A_71 : vector<1x512xf32> to vector<1024x512xf32>
      %eq3A_73 = arith.cmpf oeq, %select_n3A_68, %eq3A_72 : vector<1024x512xf32>
      %jit3A_74 = arith.constant 65536 : i32
      %broadcast_in_dim3A_75 = vector.broadcast %jit3A_74 : i32 to vector<1024x512xi32>
      %select_n3A_76 = arith.select %eq3A_73, %get3A_41, %broadcast_in_dim3A_75 : vector<1024x512xi1>, vector<1024x512xi32>
      %reduce_min3A_77 = arith.constant dense<2147483647> : vector<512xi32>
      %reduce_min3A_78 = vector.multi_reduction <minsi>, %select_n3A_76, %reduce_min3A_77 [0] : vector<1024x512xi32> to vector<512xi32>
      %broadcast_in_dim3A_79 = vector.shape_cast %reduce_min3A_78 : vector<512xi32> to vector<1x512xi32>
      %shift_right_arithmetic3A_80 = arith.constant 6 : i32
      %shift_right_arithmetic3A_81 = vector.broadcast %shift_right_arithmetic3A_80 : i32 to vector<1024x512xi32>
      %shift_right_arithmetic3A_82 = arith.shrsi %get3A_41, %shift_right_arithmetic3A_81 : vector<1024x512xi32>
      %shift_right_arithmetic3A_83 = arith.constant 6 : i32
      %shift_right_arithmetic3A_84 = vector.broadcast %shift_right_arithmetic3A_83 : i32 to vector<1x512xi32>
      %shift_right_arithmetic3A_85 = arith.shrsi %broadcast_in_dim3A_79, %shift_right_arithmetic3A_84 : vector<1x512xi32>
      %eq3A_86 = vector.broadcast %shift_right_arithmetic3A_85 : vector<1x512xi32> to vector<1024x512xi32>
      %eq3A_87 = arith.cmpi eq, %shift_right_arithmetic3A_82, %eq3A_86 : vector<1024x512xi32>
      %swap3A_88 = arith.constant 1 : index
      %swap3A_89 = arith.constant 0 : index
      %swap3A_90 = vector.load %arg7[%swap3A_88, %swap3A_89] : memref<32x512xf32, #tpu.memory_space<vmem>>, vector<1x512xf32>
      tpu.vector_store %arg7[%swap3A_88, %swap3A_89], %broadcast_in_dim3A_71 {strides = array<i32>} : memref<32x512xf32, #tpu.memory_space<vmem>>, vector<1x512xf32>,
      %swap3A_91 = arith.constant 1 : index
      %swap3A_92 = arith.constant 0 : index
      %swap3A_93 = vector.load %arg8[%swap3A_91, %swap3A_92] : memref<32x512xi32, #tpu.memory_space<vmem>>, vector<1x512xi32>
      tpu.vector_store %arg8[%swap3A_91, %swap3A_92], %broadcast_in_dim3A_79 {strides = array<i32>} : memref<32x512xi32, #tpu.memory_space<vmem>>, vector<1x512xi32>,
      %jit3A_94 = arith.constant 0xFF800000 : f32
      %broadcast_in_dim3A_95 = vector.broadcast %jit3A_94 : f32 to vector<1024x512xf32>
      %select_n3A_96 = arith.select %eq3A_87, %broadcast_in_dim3A_95, %select_n3A_68 : vector<1024x512xi1>, vector<1024x512xf32>
      %reduce_max3A_97 = arith.constant dense<0xFF800000> : vector<512xf32>
      %reduce_max3A_98 = vector.multi_reduction <maximumf>, %select_n3A_96, %reduce_max3A_97 [0] : vector<1024x512xf32> to vector<512xf32>
      %broadcast_in_dim3A_99 = vector.shape_cast %reduce_max3A_98 : vector<512xf32> to vector<1x512xf32>
      %eq3A_100 = vector.broadcast %broadcast_in_dim3A_99 : vector<1x512xf32> to vector<1024x512xf32>
      %eq3A_101 = arith.cmpf oeq, %select_n3A_96, %eq3A_100 : vector<1024x512xf32>
      %jit3A_102 = arith.constant 65536 : i32
      %broadcast_in_dim3A_103 = vector.broadcast %jit3A_102 : i32 to vector<1024x512xi32>
      %select_n3A_104 = arith.select %eq3A_101, %get3A_41, %broadcast_in_dim3A_103 : vector<1024x512xi1>, vector<1024x512xi32>
      %reduce_min3A_105 = arith.constant dense<2147483647> : vector<512xi32>
      %reduce_min3A_106 = vector.multi_reduction <minsi>, %select_n3A_104, %reduce_min3A_105 [0] : vector<1024x512xi32> to vector<512xi32>
      %broadcast_in_dim3A_107 = vector.shape_cast %reduce_min3A_106 : vector<512xi32> to vector<1x512xi32>
      %shift_right_arithmetic3A_108 = arith.constant 6 : i32
      %shift_right_arithmetic3A_109 = vector.broadcast %shift_right_arithmetic3A_108 : i32 to vector<1024x512xi32>
      %shift_right_arithmetic3A_110 = arith.shrsi %get3A_41, %shift_right_arithmetic3A_109 : vector<1024x512xi32>
      %shift_right_arithmetic3A_111 = arith.constant 6 : i32
      %shift_right_arithmetic3A_112 = vector.broadcast %shift_right_arithmetic3A_111 : i32 to vector<1x512xi32>
      %shift_right_arithmetic3A_113 = arith.shrsi %broadcast_in_dim3A_107, %shift_right_arithmetic3A_112 : vector<1x512xi32>
      %eq3A_114 = vector.broadcast %shift_right_arithmetic3A_113 : vector<1x512xi32> to vector<1024x512xi32>
      %eq3A_115 = arith.cmpi eq, %shift_right_arithmetic3A_110, %eq3A_114 : vector<1024x512xi32>
      %swap3A_116 = arith.constant 2 : index
      %swap3A_117 = arith.constant 0 : index
      %swap3A_118 = vector.load %arg7[%swap3A_116, %swap3A_117] : memref<32x512xf32, #tpu.memory_space<vmem>>, vector<1x512xf32>
      tpu.vector_store %arg7[%swap3A_116, %swap3A_117], %broadcast_in_dim3A_99 {strides = array<i32>} : memref<32x512xf32, #tpu.memory_space<vmem>>, vector<1x512xf32>,
      %swap3A_119 = arith.constant 2 : index
      %swap3A_120 = arith.constant 0 : index
      %swap3A_121 = vector.load %arg8[%swap3A_119, %swap3A_120] : memref<32x512xi32, #tpu.memory_space<vmem>>, vector<1x512xi32>
      tpu.vector_store %arg8[%swap3A_119, %swap3A_120], %broadcast_in_dim3A_107 {strides = array<i32>} : memref<32x512xi32, #tpu.memory_space<vmem>>, vector<1x512xi32>,
      %jit3A_122 = arith.constant 0xFF800000 : f32
      %broadcast_in_dim3A_123 = vector.broadcast %jit3A_122 : f32 to vector<1024x512xf32>
      %select_n3A_124 = arith.select %eq3A_115, %broadcast_in_dim3A_123, %select_n3A_96 : vector<1024x512xi1>, vector<1024x512xf32>
      %reduce_max3A_125 = arith.constant dense<0xFF800000> : vector<512xf32>
      %reduce_max3A_126 = vector.multi_reduction <maximumf>, %select_n3A_124, %reduce_max3A_125 [0] : vector<1024x512xf32> to vector<512xf32>
      %broadcast_in_dim3A_127 = vector.shape_cast %reduce_max3A_126 : vector<512xf32> to vector<1x512xf32>
      %eq3A_128 = vector.broadcast %broadcast_in_dim3A_127 : vector<1x512xf32> to vector<1024x512xf32>
      %eq3A_129 = arith.cmpf oeq, %select_n3A_124, %eq3A_128 : vector<1024x512xf32>
      %jit3A_130 = arith.constant 65536 : i32
      %broadcast_in_dim3A_131 = vector.broadcast %jit3A_130 : i32 to vector<1024x512xi32>
      %select_n3A_132 = arith.select %eq3A_129, %get3A_41, %broadcast_in_dim3A_131 : vector<1024x512xi1>, vector<1024x512xi32>
      %reduce_min3A_133 = arith.constant dense<2147483647> : vector<512xi32>
      %reduce_min3A_134 = vector.multi_reduction <minsi>, %select_n3A_132, %reduce_min3A_133 [0] : vector<1024x512xi32> to vector<512xi32>
      %broadcast_in_dim3A_135 = vector.shape_cast %reduce_min3A_134 : vector<512xi32> to vector<1x512xi32>
      %shift_right_arithmetic3A_136 = arith.constant 6 : i32
      %shift_right_arithmetic3A_137 = vector.broadcast %shift_right_arithmetic3A_136 : i32 to vector<1024x512xi32>
      %shift_right_arithmetic3A_138 = arith.shrsi %get3A_41, %shift_right_arithmetic3A_137 : vector<1024x512xi32>
      %shift_right_arithmetic3A_139 = arith.constant 6 : i32
      %shift_right_arithmetic3A_140 = vector.broadcast %shift_right_arithmetic3A_139 : i32 to vector<1x512xi32>
      %shift_right_arithmetic3A_141 = arith.shrsi %broadcast_in_dim3A_135, %shift_right_arithmetic3A_140 : vector<1x512xi32>
      %eq3A_142 = vector.broadcast %shift_right_arithmetic3A_141 : vector<1x512xi32> to vector<1024x512xi32>
      %eq3A_143 = arith.cmpi eq, %shift_right_arithmetic3A_138, %eq3A_142 : vector<1024x512xi32>
      %swap3A_144 = arith.constant 3 : index
      %swap3A_145 = arith.constant 0 : index
      %swap3A_146 = vector.load %arg7[%swap3A_144, %swap3A_145] : memref<32x512xf32, #tpu.memory_space<vmem>>, vector<1x512xf32>
      tpu.vector_store %arg7[%swap3A_144, %swap3A_145], %broadcast_in_dim3A_127 {strides = array<i32>} : memref<32x512xf32, #tpu.memory_space<vmem>>, vector<1x512xf32>,
      %swap3A_147 = arith.constant 3 : index
      %swap3A_148 = arith.constant 0 : index
      %swap3A_149 = vector.load %arg8[%swap3A_147, %swap3A_148] : memref<32x512xi32, #tpu.memory_space<vmem>>, vector<1x512xi32>
      tpu.vector_store %arg8[%swap3A_147, %swap3A_148], %broadcast_in_dim3A_135 {strides = array<i32>} : memref<32x512xi32, #tpu.memory_space<vmem>>, vector<1x512xi32>,
      %jit3A_150 = arith.constant 0xFF800000 : f32
      %broadcast_in_dim3A_151 = vector.broadcast %jit3A_150 : f32 to vector<1024x512xf32>
      %select_n3A_152 = arith.select %eq3A_143, %broadcast_in_dim3A_151, %select_n3A_124 : vector<1024x512xi1>, vector<1024x512xf32>
      %reduce_max3A_153 = arith.constant dense<0xFF800000> : vector<512xf32>
      %reduce_max3A_154 = vector.multi_reduction <maximumf>, %select_n3A_152, %reduce_max3A_153 [0] : vector<1024x512xf32> to vector<512xf32>
      %broadcast_in_dim3A_155 = vector.shape_cast %reduce_max3A_154 : vector<512xf32> to vector<1x512xf32>
      %eq3A_156 = vector.broadcast %broadcast_in_dim3A_155 : vector<1x512xf32> to vector<1024x512xf32>
      %eq3A_157 = arith.cmpf oeq, %select_n3A_152, %eq3A_156 : vector<1024x512xf32>
      %jit3A_158 = arith.constant 65536 : i32
      %broadcast_in_dim3A_159 = vector.broadcast %jit3A_158 : i32 to vector<1024x512xi32>
      %select_n3A_160 = arith.select %eq3A_157, %get3A_41, %broadcast_in_dim3A_159 : vector<1024x512xi1>, vector<1024x512xi32>
      %reduce_min3A_161 = arith.constant dense<2147483647> : vector<512xi32>
      %reduce_min3A_162 = vector.multi_reduction <minsi>, %select_n3A_160, %reduce_min3A_161 [0] : vector<1024x512xi32> to vector<512xi32>
      %broadcast_in_dim3A_163 = vector.shape_cast %reduce_min3A_162 : vector<512xi32> to vector<1x512xi32>
      %shift_right_arithmetic3A_164 = arith.constant 6 : i32
      %shift_right_arithmetic3A_165 = vector.broadcast %shift_right_arithmetic3A_164 : i32 to vector<1024x512xi32>
      %shift_right_arithmetic3A_166 = arith.shrsi %get3A_41, %shift_right_arithmetic3A_165 : vector<1024x512xi32>
      %shift_right_arithmetic3A_167 = arith.constant 6 : i32
      %shift_right_arithmetic3A_168 = vector.broadcast %shift_right_arithmetic3A_167 : i32 to vector<1x512xi32>
      %shift_right_arithmetic3A_169 = arith.shrsi %broadcast_in_dim3A_163, %shift_right_arithmetic3A_168 : vector<1x512xi32>
      %eq3A_170 = vector.broadcast %shift_right_arithmetic3A_169 : vector<1x512xi32> to vector<1024x512xi32>
      %eq3A_171 = arith.cmpi eq, %shift_right_arithmetic3A_166, %eq3A_170 : vector<1024x512xi32>
      %swap3A_172 = arith.constant 4 : index
      %swap3A_173 = arith.constant 0 : index
      %swap3A_174 = vector.load %arg7[%swap3A_172, %swap3A_173] : memref<32x512xf32, #tpu.memory_space<vmem>>, vector<1x512xf32>
      tpu.vector_store %arg7[%swap3A_172, %swap3A_173], %broadcast_in_dim3A_155 {strides = array<i32>} : memref<32x512xf32, #tpu.memory_space<vmem>>, vector<1x512xf32>,
      %swap3A_175 = arith.constant 4 : index
      %swap3A_176 = arith.constant 0 : index
      %swap3A_177 = vector.load %arg8[%swap3A_175, %swap3A_176] : memref<32x512xi32, #tpu.memory_space<vmem>>, vector<1x512xi32>
      tpu.vector_store %arg8[%swap3A_175, %swap3A_176], %broadcast_in_dim3A_163 {strides = array<i32>} : memref<32x512xi32, #tpu.memory_space<vmem>>, vector<1x512xi32>,
      %jit3A_178 = arith.constant 0xFF800000 : f32
      %broadcast_in_dim3A_179 = vector.broadcast %jit3A_178 : f32 to vector<1024x512xf32>
      %select_n3A_180 = arith.select %eq3A_171, %broadcast_in_dim3A_179, %select_n3A_152 : vector<1024x512xi1>, vector<1024x512xf32>
      %reduce_max3A_181 = arith.constant dense<0xFF800000> : vector<512xf32>
      %reduce_max3A_182 = vector.multi_reduction <maximumf>, %select_n3A_180, %reduce_max3A_181 [0] : vector<1024x512xf32> to vector<512xf32>
      %broadcast_in_dim3A_183 = vector.shape_cast %reduce_max3A_182 : vector<512xf32> to vector<1x512xf32>
      %eq3A_184 = vector.broadcast %broadcast_in_dim3A_183 : vector<1x512xf32> to vector<1024x512xf32>
      %eq3A_185 = arith.cmpf oeq, %select_n3A_180, %eq3A_184 : vector<1024x512xf32>
      %jit3A_186 = arith.constant 65536 : i32
      %broadcast_in_dim3A_187 = vector.broadcast %jit3A_186 : i32 to vector<1024x512xi32>
      %select_n3A_188 = arith.select %eq3A_185, %get3A_41, %broadcast_in_dim3A_187 : vector<1024x512xi1>, vector<1024x512xi32>
      %reduce_min3A_189 = arith.constant dense<2147483647> : vector<512xi32>
      %reduce_min3A_190 = vector.multi_reduction <minsi>, %select_n3A_188, %reduce_min3A_189 [0] : vector<1024x512xi32> to vector<512xi32>
      %broadcast_in_dim3A_191 = vector.shape_cast %reduce_min3A_190 : vector<512xi32> to vector<1x512xi32>
      %shift_right_arithmetic3A_192 = arith.constant 6 : i32
      %shift_right_arithmetic3A_193 = vector.broadcast %shift_right_arithmetic3A_192 : i32 to vector<1024x512xi32>
      %shift_right_arithmetic3A_194 = arith.shrsi %get3A_41, %shift_right_arithmetic3A_193 : vector<1024x512xi32>
      %shift_right_arithmetic3A_195 = arith.constant 6 : i32
      %shift_right_arithmetic3A_196 = vector.broadcast %shift_right_arithmetic3A_195 : i32 to vector<1x512xi32>
      %shift_right_arithmetic3A_197 = arith.shrsi %broadcast_in_dim3A_191, %shift_right_arithmetic3A_196 : vector<1x512xi32>
      %eq3A_198 = vector.broadcast %shift_right_arithmetic3A_197 : vector<1x512xi32> to vector<1024x512xi32>
      %eq3A_199 = arith.cmpi eq, %shift_right_arithmetic3A_194, %eq3A_198 : vector<1024x512xi32>
      %swap3A_200 = arith.constant 5 : index
      %swap3A_201 = arith.constant 0 : index
      %swap3A_202 = vector.load %arg7[%swap3A_200, %swap3A_201] : memref<32x512xf32, #tpu.memory_space<vmem>>, vector<1x512xf32>
      tpu.vector_store %arg7[%swap3A_200, %swap3A_201], %broadcast_in_dim3A_183 {strides = array<i32>} : memref<32x512xf32, #tpu.memory_space<vmem>>, vector<1x512xf32>,
      %swap3A_203 = arith.constant 5 : index
      %swap3A_204 = arith.constant 0 : index
      %swap3A_205 = vector.load %arg8[%swap3A_203, %swap3A_204] : memref<32x512xi32, #tpu.memory_space<vmem>>, vector<1x512xi32>
      tpu.vector_store %arg8[%swap3A_203, %swap3A_204], %broadcast_in_dim3A_191 {strides = array<i32>} : memref<32x512xi32, #tpu.memory_space<vmem>>, vector<1x512xi32>,
      %jit3A_206 = arith.constant 0xFF800000 : f32
      %broadcast_in_dim3A_207 = vector.broadcast %jit3A_206 : f32 to vector<1024x512xf32>
      %select_n3A_208 = arith.select %eq3A_199, %broadcast_in_dim3A_207, %select_n3A_180 : vector<1024x512xi1>, vector<1024x512xf32>
      %reduce_max3A_209 = arith.constant dense<0xFF800000> : vector<512xf32>
      %reduce_max3A_210 = vector.multi_reduction <maximumf>, %select_n3A_208, %reduce_max3A_209 [0] : vector<1024x512xf32> to vector<512xf32>
      %broadcast_in_dim3A_211 = vector.shape_cast %reduce_max3A_210 : vector<512xf32> to vector<1x512xf32>
      %eq3A_212 = vector.broadcast %broadcast_in_dim3A_211 : vector<1x512xf32> to vector<1024x512xf32>
      %eq3A_213 = arith.cmpf oeq, %select_n3A_208, %eq3A_212 : vector<1024x512xf32>
      %jit3A_214 = arith.constant 65536 : i32
      %broadcast_in_dim3A_215 = vector.broadcast %jit3A_214 : i32 to vector<1024x512xi32>
      %select_n3A_216 = arith.select %eq3A_213, %get3A_41, %broadcast_in_dim3A_215 : vector<1024x512xi1>, vector<1024x512xi32>
      %reduce_min3A_217 = arith.constant dense<2147483647> : vector<512xi32>
      %reduce_min3A_218 = vector.multi_reduction <minsi>, %select_n3A_216, %reduce_min3A_217 [0] : vector<1024x512xi32> to vector<512xi32>
      %broadcast_in_dim3A_219 = vector.shape_cast %reduce_min3A_218 : vector<512xi32> to vector<1x512xi32>
      %shift_right_arithmetic3A_220 = arith.constant 6 : i32
      %shift_right_arithmetic3A_221 = vector.broadcast %shift_right_arithmetic3A_220 : i32 to vector<1024x512xi32>
      %shift_right_arithmetic3A_222 = arith.shrsi %get3A_41, %shift_right_arithmetic3A_221 : vector<1024x512xi32>
      %shift_right_arithmetic3A_223 = arith.constant 6 : i32
      %shift_right_arithmetic3A_224 = vector.broadcast %shift_right_arithmetic3A_223 : i32 to vector<1x512xi32>
      %shift_right_arithmetic3A_225 = arith.shrsi %broadcast_in_dim3A_219, %shift_right_arithmetic3A_224 : vector<1x512xi32>
      %eq3A_226 = vector.broadcast %shift_right_arithmetic3A_225 : vector<1x512xi32> to vector<1024x512xi32>
      %eq3A_227 = arith.cmpi eq, %shift_right_arithmetic3A_222, %eq3A_226 : vector<1024x512xi32>
      %swap3A_228 = arith.constant 6 : index
      %swap3A_229 = arith.constant 0 : index
      %swap3A_230 = vector.load %arg7[%swap3A_228, %swap3A_229] : memref<32x512xf32, #tpu.memory_space<vmem>>, vector<1x512xf32>
      tpu.vector_store %arg7[%swap3A_228, %swap3A_229], %broadcast_in_dim3A_211 {strides = array<i32>} : memref<32x512xf32, #tpu.memory_space<vmem>>, vector<1x512xf32>,
      %swap3A_231 = arith.constant 6 : index
      %swap3A_232 = arith.constant 0 : index
      %swap3A_233 = vector.load %arg8[%swap3A_231, %swap3A_232] : memref<32x512xi32, #tpu.memory_space<vmem>>, vector<1x512xi32>
      tpu.vector_store %arg8[%swap3A_231, %swap3A_232], %broadcast_in_dim3A_219 {strides = array<i32>} : memref<32x512xi32, #tpu.memory_space<vmem>>, vector<1x512xi32>,
      %jit3A_234 = arith.constant 0xFF800000 : f32
      %broadcast_in_dim3A_235 = vector.broadcast %jit3A_234 : f32 to vector<1024x512xf32>
      %select_n3A_236 = arith.select %eq3A_227, %broadcast_in_dim3A_235, %select_n3A_208 : vector<1024x512xi1>, vector<1024x512xf32>
      %reduce_max3A_237 = arith.constant dense<0xFF800000> : vector<512xf32>
      %reduce_max3A_238 = vector.multi_reduction <maximumf>, %select_n3A_236, %reduce_max3A_237 [0] : vector<1024x512xf32> to vector<512xf32>
      %broadcast_in_dim3A_239 = vector.shape_cast %reduce_max3A_238 : vector<512xf32> to vector<1x512xf32>
      %eq3A_240 = vector.broadcast %broadcast_in_dim3A_239 : vector<1x512xf32> to vector<1024x512xf32>
      %eq3A_241 = arith.cmpf oeq, %select_n3A_236, %eq3A_240 : vector<1024x512xf32>
      %jit3A_242 = arith.constant 65536 : i32
      %broadcast_in_dim3A_243 = vector.broadcast %jit3A_242 : i32 to vector<1024x512xi32>
      %select_n3A_244 = arith.select %eq3A_241, %get3A_41, %broadcast_in_dim3A_243 : vector<1024x512xi1>, vector<1024x512xi32>
      %reduce_min3A_245 = arith.constant dense<2147483647> : vector<512xi32>
      %reduce_min3A_246 = vector.multi_reduction <minsi>, %select_n3A_244, %reduce_min3A_245 [0] : vector<1024x512xi32> to vector<512xi32>
      %broadcast_in_dim3A_247 = vector.shape_cast %reduce_min3A_246 : vector<512xi32> to vector<1x512xi32>
      %shift_right_arithmetic3A_248 = arith.constant 6 : i32
      %shift_right_arithmetic3A_249 = vector.broadcast %shift_right_arithmetic3A_248 : i32 to vector<1024x512xi32>
      %shift_right_arithmetic3A_250 = arith.shrsi %get3A_41, %shift_right_arithmetic3A_249 : vector<1024x512xi32>
      %shift_right_arithmetic3A_251 = arith.constant 6 : i32
      %shift_right_arithmetic3A_252 = vector.broadcast %shift_right_arithmetic3A_251 : i32 to vector<1x512xi32>
      %shift_right_arithmetic3A_253 = arith.shrsi %broadcast_in_dim3A_247, %shift_right_arithmetic3A_252 : vector<1x512xi32>
      %eq3A_254 = vector.broadcast %shift_right_arithmetic3A_253 : vector<1x512xi32> to vector<1024x512xi32>
      %eq3A_255 = arith.cmpi eq, %shift_right_arithmetic3A_250, %eq3A_254 : vector<1024x512xi32>
      %swap3A_256 = arith.constant 7 : index
      %swap3A_257 = arith.constant 0 : index
      %swap3A_258 = vector.load %arg7[%swap3A_256, %swap3A_257] : memref<32x512xf32, #tpu.memory_space<vmem>>, vector<1x512xf32>
      tpu.vector_store %arg7[%swap3A_256, %swap3A_257], %broadcast_in_dim3A_239 {strides = array<i32>} : memref<32x512xf32, #tpu.memory_space<vmem>>, vector<1x512xf32>,
      %swap3A_259 = arith.constant 7 : index
      %swap3A_260 = arith.constant 0 : index
      %swap3A_261 = vector.load %arg8[%swap3A_259, %swap3A_260] : memref<32x512xi32, #tpu.memory_space<vmem>>, vector<1x512xi32>
      tpu.vector_store %arg8[%swap3A_259, %swap3A_260], %broadcast_in_dim3A_247 {strides = array<i32>} : memref<32x512xi32, #tpu.memory_space<vmem>>, vector<1x512xi32>,
      %jit3A_262 = arith.constant 0xFF800000 : f32
      %broadcast_in_dim3A_263 = vector.broadcast %jit3A_262 : f32 to vector<1024x512xf32>
      %select_n3A_264 = arith.select %eq3A_255, %broadcast_in_dim3A_263, %select_n3A_236 : vector<1024x512xi1>, vector<1024x512xf32>
      %reduce_max3A_265 = arith.constant dense<0xFF800000> : vector<512xf32>
      %reduce_max3A_266 = vector.multi_reduction <maximumf>, %select_n3A_264, %reduce_max3A_265 [0] : vector<1024x512xf32> to vector<512xf32>
      %broadcast_in_dim3A_267 = vector.shape_cast %reduce_max3A_266 : vector<512xf32> to vector<1x512xf32>
      %eq3A_268 = vector.broadcast %broadcast_in_dim3A_267 : vector<1x512xf32> to vector<1024x512xf32>
      %eq3A_269 = arith.cmpf oeq, %select_n3A_264, %eq3A_268 : vector<1024x512xf32>
      %jit3A_270 = arith.constant 65536 : i32
      %broadcast_in_dim3A_271 = vector.broadcast %jit3A_270 : i32 to vector<1024x512xi32>
      %select_n3A_272 = arith.select %eq3A_269, %get3A_41, %broadcast_in_dim3A_271 : vector<1024x512xi1>, vector<1024x512xi32>
      %reduce_min3A_273 = arith.constant dense<2147483647> : vector<512xi32>
      %reduce_min3A_274 = vector.multi_reduction <minsi>, %select_n3A_272, %reduce_min3A_273 [0] : vector<1024x512xi32> to vector<512xi32>
      %broadcast_in_dim3A_275 = vector.shape_cast %reduce_min3A_274 : vector<512xi32> to vector<1x512xi32>
      %shift_right_arithmetic3A_276 = arith.constant 6 : i32
      %shift_right_arithmetic3A_277 = vector.broadcast %shift_right_arithmetic3A_276 : i32 to vector<1024x512xi32>
      %shift_right_arithmetic3A_278 = arith.shrsi %get3A_41, %shift_right_arithmetic3A_277 : vector<1024x512xi32>
      %shift_right_arithmetic3A_279 = arith.constant 6 : i32
      %shift_right_arithmetic3A_280 = vector.broadcast %shift_right_arithmetic3A_279 : i32 to vector<1x512xi32>
      %shift_right_arithmetic3A_281 = arith.shrsi %broadcast_in_dim3A_275, %shift_right_arithmetic3A_280 : vector<1x512xi32>
      %eq3A_282 = vector.broadcast %shift_right_arithmetic3A_281 : vector<1x512xi32> to vector<1024x512xi32>
      %eq3A_283 = arith.cmpi eq, %shift_right_arithmetic3A_278, %eq3A_282 : vector<1024x512xi32>
      %swap3A_284 = arith.constant 8 : index
      %swap3A_285 = arith.constant 0 : index
      %swap3A_286 = vector.load %arg7[%swap3A_284, %swap3A_285] : memref<32x512xf32, #tpu.memory_space<vmem>>, vector<1x512xf32>
      tpu.vector_store %arg7[%swap3A_284, %swap3A_285], %broadcast_in_dim3A_267 {strides = array<i32>} : memref<32x512xf32, #tpu.memory_space<vmem>>, vector<1x512xf32>,
      %swap3A_287 = arith.constant 8 : index
      %swap3A_288 = arith.constant 0 : index
      %swap3A_289 = vector.load %arg8[%swap3A_287, %swap3A_288] : memref<32x512xi32, #tpu.memory_space<vmem>>, vector<1x512xi32>
      tpu.vector_store %arg8[%swap3A_287, %swap3A_288], %broadcast_in_dim3A_275 {strides = array<i32>} : memref<32x512xi32, #tpu.memory_space<vmem>>, vector<1x512xi32>,
      %jit3A_290 = arith.constant 0xFF800000 : f32
      %broadcast_in_dim3A_291 = vector.broadcast %jit3A_290 : f32 to vector<1024x512xf32>
      %select_n3A_292 = arith.select %eq3A_283, %broadcast_in_dim3A_291, %select_n3A_264 : vector<1024x512xi1>, vector<1024x512xf32>
      %reduce_max3A_293 = arith.constant dense<0xFF800000> : vector<512xf32>
      %reduce_max3A_294 = vector.multi_reduction <maximumf>, %select_n3A_292, %reduce_max3A_293 [0] : vector<1024x512xf32> to vector<512xf32>
      %broadcast_in_dim3A_295 = vector.shape_cast %reduce_max3A_294 : vector<512xf32> to vector<1x512xf32>
      %eq3A_296 = vector.broadcast %broadcast_in_dim3A_295 : vector<1x512xf32> to vector<1024x512xf32>
      %eq3A_297 = arith.cmpf oeq, %select_n3A_292, %eq3A_296 : vector<1024x512xf32>
      %jit3A_298 = arith.constant 65536 : i32
      %broadcast_in_dim3A_299 = vector.broadcast %jit3A_298 : i32 to vector<1024x512xi32>
      %select_n3A_300 = arith.select %eq3A_297, %get3A_41, %broadcast_in_dim3A_299 : vector<1024x512xi1>, vector<1024x512xi32>
      %reduce_min3A_301 = arith.constant dense<2147483647> : vector<512xi32>
      %reduce_min3A_302 = vector.multi_reduction <minsi>, %select_n3A_300, %reduce_min3A_301 [0] : vector<1024x512xi32> to vector<512xi32>
      %broadcast_in_dim3A_303 = vector.shape_cast %reduce_min3A_302 : vector<512xi32> to vector<1x512xi32>
      %shift_right_arithmetic3A_304 = arith.constant 6 : i32
      %shift_right_arithmetic3A_305 = vector.broadcast %shift_right_arithmetic3A_304 : i32 to vector<1024x512xi32>
      %shift_right_arithmetic3A_306 = arith.shrsi %get3A_41, %shift_right_arithmetic3A_305 : vector<1024x512xi32>
      %shift_right_arithmetic3A_307 = arith.constant 6 : i32
      %shift_right_arithmetic3A_308 = vector.broadcast %shift_right_arithmetic3A_307 : i32 to vector<1x512xi32>
      %shift_right_arithmetic3A_309 = arith.shrsi %broadcast_in_dim3A_303, %shift_right_arithmetic3A_308 : vector<1x512xi32>
      %eq3A_310 = vector.broadcast %shift_right_arithmetic3A_309 : vector<1x512xi32> to vector<1024x512xi32>
      %eq3A_311 = arith.cmpi eq, %shift_right_arithmetic3A_306, %eq3A_310 : vector<1024x512xi32>
      %swap3A_312 = arith.constant 9 : index
      %swap3A_313 = arith.constant 0 : index
      %swap3A_314 = vector.load %arg7[%swap3A_312, %swap3A_313] : memref<32x512xf32, #tpu.memory_space<vmem>>, vector<1x512xf32>
      tpu.vector_store %arg7[%swap3A_312, %swap3A_313], %broadcast_in_dim3A_295 {strides = array<i32>} : memref<32x512xf32, #tpu.memory_space<vmem>>, vector<1x512xf32>,
      %swap3A_315 = arith.constant 9 : index
      %swap3A_316 = arith.constant 0 : index
      %swap3A_317 = vector.load %arg8[%swap3A_315, %swap3A_316] : memref<32x512xi32, #tpu.memory_space<vmem>>, vector<1x512xi32>
      tpu.vector_store %arg8[%swap3A_315, %swap3A_316], %broadcast_in_dim3A_303 {strides = array<i32>} : memref<32x512xi32, #tpu.memory_space<vmem>>, vector<1x512xi32>,
      %jit3A_318 = arith.constant 0xFF800000 : f32
      %broadcast_in_dim3A_319 = vector.broadcast %jit3A_318 : f32 to vector<1024x512xf32>
      %select_n3A_320 = arith.select %eq3A_311, %broadcast_in_dim3A_319, %select_n3A_292 : vector<1024x512xi1>, vector<1024x512xf32>
      %reduce_max3A_321 = arith.constant dense<0xFF800000> : vector<512xf32>
      %reduce_max3A_322 = vector.multi_reduction <maximumf>, %select_n3A_320, %reduce_max3A_321 [0] : vector<1024x512xf32> to vector<512xf32>
      %broadcast_in_dim3A_323 = vector.shape_cast %reduce_max3A_322 : vector<512xf32> to vector<1x512xf32>
      %eq3A_324 = vector.broadcast %broadcast_in_dim3A_323 : vector<1x512xf32> to vector<1024x512xf32>
      %eq3A_325 = arith.cmpf oeq, %select_n3A_320, %eq3A_324 : vector<1024x512xf32>
      %jit3A_326 = arith.constant 65536 : i32
      %broadcast_in_dim3A_327 = vector.broadcast %jit3A_326 : i32 to vector<1024x512xi32>
      %select_n3A_328 = arith.select %eq3A_325, %get3A_41, %broadcast_in_dim3A_327 : vector<1024x512xi1>, vector<1024x512xi32>
      %reduce_min3A_329 = arith.constant dense<2147483647> : vector<512xi32>
      %reduce_min3A_330 = vector.multi_reduction <minsi>, %select_n3A_328, %reduce_min3A_329 [0] : vector<1024x512xi32> to vector<512xi32>
      %broadcast_in_dim3A_331 = vector.shape_cast %reduce_min3A_330 : vector<512xi32> to vector<1x512xi32>
      %shift_right_arithmetic3A_332 = arith.constant 6 : i32
      %shift_right_arithmetic3A_333 = vector.broadcast %shift_right_arithmetic3A_332 : i32 to vector<1024x512xi32>
      %shift_right_arithmetic3A_334 = arith.shrsi %get3A_41, %shift_right_arithmetic3A_333 : vector<1024x512xi32>
      %shift_right_arithmetic3A_335 = arith.constant 6 : i32
      %shift_right_arithmetic3A_336 = vector.broadcast %shift_right_arithmetic3A_335 : i32 to vector<1x512xi32>
      %shift_right_arithmetic3A_337 = arith.shrsi %broadcast_in_dim3A_331, %shift_right_arithmetic3A_336 : vector<1x512xi32>
      %eq3A_338 = vector.broadcast %shift_right_arithmetic3A_337 : vector<1x512xi32> to vector<1024x512xi32>
      %eq3A_339 = arith.cmpi eq, %shift_right_arithmetic3A_334, %eq3A_338 : vector<1024x512xi32>
      %swap3A_340 = arith.constant 10 : index
      %swap3A_341 = arith.constant 0 : index
      %swap3A_342 = vector.load %arg7[%swap3A_340, %swap3A_341] : memref<32x512xf32, #tpu.memory_space<vmem>>, vector<1x512xf32>
      tpu.vector_store %arg7[%swap3A_340, %swap3A_341], %broadcast_in_dim3A_323 {strides = array<i32>} : memref<32x512xf32, #tpu.memory_space<vmem>>, vector<1x512xf32>,
      %swap3A_343 = arith.constant 10 : index
      %swap3A_344 = arith.constant 0 : index
      %swap3A_345 = vector.load %arg8[%swap3A_343, %swap3A_344] : memref<32x512xi32, #tpu.memory_space<vmem>>, vector<1x512xi32>
      tpu.vector_store %arg8[%swap3A_343, %swap3A_344], %broadcast_in_dim3A_331 {strides = array<i32>} : memref<32x512xi32, #tpu.memory_space<vmem>>, vector<1x512xi32>,
      %jit3A_346 = arith.constant 0xFF800000 : f32
      %broadcast_in_dim3A_347 = vector.broadcast %jit3A_346 : f32 to vector<1024x512xf32>
      %select_n3A_348 = arith.select %eq3A_339, %broadcast_in_dim3A_347, %select_n3A_320 : vector<1024x512xi1>, vector<1024x512xf32>
      %reduce_max3A_349 = arith.constant dense<0xFF800000> : vector<512xf32>
      %reduce_max3A_350 = vector.multi_reduction <maximumf>, %select_n3A_348, %reduce_max3A_349 [0] : vector<1024x512xf32> to vector<512xf32>
      %broadcast_in_dim3A_351 = vector.shape_cast %reduce_max3A_350 : vector<512xf32> to vector<1x512xf32>
      %eq3A_352 = vector.broadcast %broadcast_in_dim3A_351 : vector<1x512xf32> to vector<1024x512xf32>
      %eq3A_353 = arith.cmpf oeq, %select_n3A_348, %eq3A_352 : vector<1024x512xf32>
      %jit3A_354 = arith.constant 65536 : i32
      %broadcast_in_dim3A_355 = vector.broadcast %jit3A_354 : i32 to vector<1024x512xi32>
      %select_n3A_356 = arith.select %eq3A_353, %get3A_41, %broadcast_in_dim3A_355 : vector<1024x512xi1>, vector<1024x512xi32>
      %reduce_min3A_357 = arith.constant dense<2147483647> : vector<512xi32>
      %reduce_min3A_358 = vector.multi_reduction <minsi>, %select_n3A_356, %reduce_min3A_357 [0] : vector<1024x512xi32> to vector<512xi32>
      %broadcast_in_dim3A_359 = vector.shape_cast %reduce_min3A_358 : vector<512xi32> to vector<1x512xi32>
      %shift_right_arithmetic3A_360 = arith.constant 6 : i32
      %shift_right_arithmetic3A_361 = vector.broadcast %shift_right_arithmetic3A_360 : i32 to vector<1024x512xi32>
      %shift_right_arithmetic3A_362 = arith.shrsi %get3A_41, %shift_right_arithmetic3A_361 : vector<1024x512xi32>
      %shift_right_arithmetic3A_363 = arith.constant 6 : i32
      %shift_right_arithmetic3A_364 = vector.broadcast %shift_right_arithmetic3A_363 : i32 to vector<1x512xi32>
      %shift_right_arithmetic3A_365 = arith.shrsi %broadcast_in_dim3A_359, %shift_right_arithmetic3A_364 : vector<1x512xi32>
      %eq3A_366 = vector.broadcast %shift_right_arithmetic3A_365 : vector<1x512xi32> to vector<1024x512xi32>
      %eq3A_367 = arith.cmpi eq, %shift_right_arithmetic3A_362, %eq3A_366 : vector<1024x512xi32>
      %swap3A_368 = arith.constant 11 : index
      %swap3A_369 = arith.constant 0 : index
      %swap3A_370 = vector.load %arg7[%swap3A_368, %swap3A_369] : memref<32x512xf32, #tpu.memory_space<vmem>>, vector<1x512xf32>
      tpu.vector_store %arg7[%swap3A_368, %swap3A_369], %broadcast_in_dim3A_351 {strides = array<i32>} : memref<32x512xf32, #tpu.memory_space<vmem>>, vector<1x512xf32>,
      %swap3A_371 = arith.constant 11 : index
      %swap3A_372 = arith.constant 0 : index
      %swap3A_373 = vector.load %arg8[%swap3A_371, %swap3A_372] : memref<32x512xi32, #tpu.memory_space<vmem>>, vector<1x512xi32>
      tpu.vector_store %arg8[%swap3A_371, %swap3A_372], %broadcast_in_dim3A_359 {strides = array<i32>} : memref<32x512xi32, #tpu.memory_space<vmem>>, vector<1x512xi32>,
      %jit3A_374 = arith.constant 0xFF800000 : f32
      %broadcast_in_dim3A_375 = vector.broadcast %jit3A_374 : f32 to vector<1024x512xf32>
      %select_n3A_376 = arith.select %eq3A_367, %broadcast_in_dim3A_375, %select_n3A_348 : vector<1024x512xi1>, vector<1024x512xf32>
      %reduce_max3A_377 = arith.constant dense<0xFF800000> : vector<512xf32>
      %reduce_max3A_378 = vector.multi_reduction <maximumf>, %select_n3A_376, %reduce_max3A_377 [0] : vector<1024x512xf32> to vector<512xf32>
      %broadcast_in_dim3A_379 = vector.shape_cast %reduce_max3A_378 : vector<512xf32> to vector<1x512xf32>
      %eq3A_380 = vector.broadcast %broadcast_in_dim3A_379 : vector<1x512xf32> to vector<1024x512xf32>
      %eq3A_381 = arith.cmpf oeq, %select_n3A_376, %eq3A_380 : vector<1024x512xf32>
      %jit3A_382 = arith.constant 65536 : i32
      %broadcast_in_dim3A_383 = vector.broadcast %jit3A_382 : i32 to vector<1024x512xi32>
      %select_n3A_384 = arith.select %eq3A_381, %get3A_41, %broadcast_in_dim3A_383 : vector<1024x512xi1>, vector<1024x512xi32>
      %reduce_min3A_385 = arith.constant dense<2147483647> : vector<512xi32>
      %reduce_min3A_386 = vector.multi_reduction <minsi>, %select_n3A_384, %reduce_min3A_385 [0] : vector<1024x512xi32> to vector<512xi32>
      %broadcast_in_dim3A_387 = vector.shape_cast %reduce_min3A_386 : vector<512xi32> to vector<1x512xi32>
      %shift_right_arithmetic3A_388 = arith.constant 6 : i32
      %shift_right_arithmetic3A_389 = vector.broadcast %shift_right_arithmetic3A_388 : i32 to vector<1024x512xi32>
      %shift_right_arithmetic3A_390 = arith.shrsi %get3A_41, %shift_right_arithmetic3A_389 : vector<1024x512xi32>
      %shift_right_arithmetic3A_391 = arith.constant 6 : i32
      %shift_right_arithmetic3A_392 = vector.broadcast %shift_right_arithmetic3A_391 : i32 to vector<1x512xi32>
      %shift_right_arithmetic3A_393 = arith.shrsi %broadcast_in_dim3A_387, %shift_right_arithmetic3A_392 : vector<1x512xi32>
      %eq3A_394 = vector.broadcast %shift_right_arithmetic3A_393 : vector<1x512xi32> to vector<1024x512xi32>
      %eq3A_395 = arith.cmpi eq, %shift_right_arithmetic3A_390, %eq3A_394 : vector<1024x512xi32>
      %swap3A_396 = arith.constant 12 : index
      %swap3A_397 = arith.constant 0 : index
      %swap3A_398 = vector.load %arg7[%swap3A_396, %swap3A_397] : memref<32x512xf32, #tpu.memory_space<vmem>>, vector<1x512xf32>
      tpu.vector_store %arg7[%swap3A_396, %swap3A_397], %broadcast_in_dim3A_379 {strides = array<i32>} : memref<32x512xf32, #tpu.memory_space<vmem>>, vector<1x512xf32>,
      %swap3A_399 = arith.constant 12 : index
      %swap3A_400 = arith.constant 0 : index
      %swap3A_401 = vector.load %arg8[%swap3A_399, %swap3A_400] : memref<32x512xi32, #tpu.memory_space<vmem>>, vector<1x512xi32>
      tpu.vector_store %arg8[%swap3A_399, %swap3A_400], %broadcast_in_dim3A_387 {strides = array<i32>} : memref<32x512xi32, #tpu.memory_space<vmem>>, vector<1x512xi32>,
      %jit3A_402 = arith.constant 0xFF800000 : f32
      %broadcast_in_dim3A_403 = vector.broadcast %jit3A_402 : f32 to vector<1024x512xf32>
      %select_n3A_404 = arith.select %eq3A_395, %broadcast_in_dim3A_403, %select_n3A_376 : vector<1024x512xi1>, vector<1024x512xf32>
      %reduce_max3A_405 = arith.constant dense<0xFF800000> : vector<512xf32>
      %reduce_max3A_406 = vector.multi_reduction <maximumf>, %select_n3A_404, %reduce_max3A_405 [0] : vector<1024x512xf32> to vector<512xf32>
      %broadcast_in_dim3A_407 = vector.shape_cast %reduce_max3A_406 : vector<512xf32> to vector<1x512xf32>
      %eq3A_408 = vector.broadcast %broadcast_in_dim3A_407 : vector<1x512xf32> to vector<1024x512xf32>
      %eq3A_409 = arith.cmpf oeq, %select_n3A_404, %eq3A_408 : vector<1024x512xf32>
      %jit3A_410 = arith.constant 65536 : i32
      %broadcast_in_dim3A_411 = vector.broadcast %jit3A_410 : i32 to vector<1024x512xi32>
      %select_n3A_412 = arith.select %eq3A_409, %get3A_41, %broadcast_in_dim3A_411 : vector<1024x512xi1>, vector<1024x512xi32>
      %reduce_min3A_413 = arith.constant dense<2147483647> : vector<512xi32>
      %reduce_min3A_414 = vector.multi_reduction <minsi>, %select_n3A_412, %reduce_min3A_413 [0] : vector<1024x512xi32> to vector<512xi32>
      %broadcast_in_dim3A_415 = vector.shape_cast %reduce_min3A_414 : vector<512xi32> to vector<1x512xi32>
      %shift_right_arithmetic3A_416 = arith.constant 6 : i32
      %shift_right_arithmetic3A_417 = vector.broadcast %shift_right_arithmetic3A_416 : i32 to vector<1024x512xi32>
      %shift_right_arithmetic3A_418 = arith.shrsi %get3A_41, %shift_right_arithmetic3A_417 : vector<1024x512xi32>
      %shift_right_arithmetic3A_419 = arith.constant 6 : i32
      %shift_right_arithmetic3A_420 = vector.broadcast %shift_right_arithmetic3A_419 : i32 to vector<1x512xi32>
      %shift_right_arithmetic3A_421 = arith.shrsi %broadcast_in_dim3A_415, %shift_right_arithmetic3A_420 : vector<1x512xi32>
      %eq3A_422 = vector.broadcast %shift_right_arithmetic3A_421 : vector<1x512xi32> to vector<1024x512xi32>
      %eq3A_423 = arith.cmpi eq, %shift_right_arithmetic3A_418, %eq3A_422 : vector<1024x512xi32>
      %swap3A_424 = arith.constant 13 : index
      %swap3A_425 = arith.constant 0 : index
      %swap3A_426 = vector.load %arg7[%swap3A_424, %swap3A_425] : memref<32x512xf32, #tpu.memory_space<vmem>>, vector<1x512xf32>
      tpu.vector_store %arg7[%swap3A_424, %swap3A_425], %broadcast_in_dim3A_407 {strides = array<i32>} : memref<32x512xf32, #tpu.memory_space<vmem>>, vector<1x512xf32>,
      %swap3A_427 = arith.constant 13 : index
      %swap3A_428 = arith.constant 0 : index
      %swap3A_429 = vector.load %arg8[%swap3A_427, %swap3A_428] : memref<32x512xi32, #tpu.memory_space<vmem>>, vector<1x512xi32>
      tpu.vector_store %arg8[%swap3A_427, %swap3A_428], %broadcast_in_dim3A_415 {strides = array<i32>} : memref<32x512xi32, #tpu.memory_space<vmem>>, vector<1x512xi32>,
      %jit3A_430 = arith.constant 0xFF800000 : f32
      %broadcast_in_dim3A_431 = vector.broadcast %jit3A_430 : f32 to vector<1024x512xf32>
      %select_n3A_432 = arith.select %eq3A_423, %broadcast_in_dim3A_431, %select_n3A_404 : vector<1024x512xi1>, vector<1024x512xf32>
      %reduce_max3A_433 = arith.constant dense<0xFF800000> : vector<512xf32>
      %reduce_max3A_434 = vector.multi_reduction <maximumf>, %select_n3A_432, %reduce_max3A_433 [0] : vector<1024x512xf32> to vector<512xf32>
      %broadcast_in_dim3A_435 = vector.shape_cast %reduce_max3A_434 : vector<512xf32> to vector<1x512xf32>
      %eq3A_436 = vector.broadcast %broadcast_in_dim3A_435 : vector<1x512xf32> to vector<1024x512xf32>
      %eq3A_437 = arith.cmpf oeq, %select_n3A_432, %eq3A_436 : vector<1024x512xf32>
      %jit3A_438 = arith.constant 65536 : i32
      %broadcast_in_dim3A_439 = vector.broadcast %jit3A_438 : i32 to vector<1024x512xi32>
      %select_n3A_440 = arith.select %eq3A_437, %get3A_41, %broadcast_in_dim3A_439 : vector<1024x512xi1>, vector<1024x512xi32>
      %reduce_min3A_441 = arith.constant dense<2147483647> : vector<512xi32>
      %reduce_min3A_442 = vector.multi_reduction <minsi>, %select_n3A_440, %reduce_min3A_441 [0] : vector<1024x512xi32> to vector<512xi32>
      %broadcast_in_dim3A_443 = vector.shape_cast %reduce_min3A_442 : vector<512xi32> to vector<1x512xi32>
      %shift_right_arithmetic3A_444 = arith.constant 6 : i32
      %shift_right_arithmetic3A_445 = vector.broadcast %shift_right_arithmetic3A_444 : i32 to vector<1024x512xi32>
      %shift_right_arithmetic3A_446 = arith.shrsi %get3A_41, %shift_right_arithmetic3A_445 : vector<1024x512xi32>
      %shift_right_arithmetic3A_447 = arith.constant 6 : i32
      %shift_right_arithmetic3A_448 = vector.broadcast %shift_right_arithmetic3A_447 : i32 to vector<1x512xi32>
      %shift_right_arithmetic3A_449 = arith.shrsi %broadcast_in_dim3A_443, %shift_right_arithmetic3A_448 : vector<1x512xi32>
      %eq3A_450 = vector.broadcast %shift_right_arithmetic3A_449 : vector<1x512xi32> to vector<1024x512xi32>
      %eq3A_451 = arith.cmpi eq, %shift_right_arithmetic3A_446, %eq3A_450 : vector<1024x512xi32>
      %swap3A_452 = arith.constant 14 : index
      %swap3A_453 = arith.constant 0 : index
      %swap3A_454 = vector.load %arg7[%swap3A_452, %swap3A_453] : memref<32x512xf32, #tpu.memory_space<vmem>>, vector<1x512xf32>
      tpu.vector_store %arg7[%swap3A_452, %swap3A_453], %broadcast_in_dim3A_435 {strides = array<i32>} : memref<32x512xf32, #tpu.memory_space<vmem>>, vector<1x512xf32>,
      %swap3A_455 = arith.constant 14 : index
      %swap3A_456 = arith.constant 0 : index
      %swap3A_457 = vector.load %arg8[%swap3A_455, %swap3A_456] : memref<32x512xi32, #tpu.memory_space<vmem>>, vector<1x512xi32>
      tpu.vector_store %arg8[%swap3A_455, %swap3A_456], %broadcast_in_dim3A_443 {strides = array<i32>} : memref<32x512xi32, #tpu.memory_space<vmem>>, vector<1x512xi32>,
      %jit3A_458 = arith.constant 0xFF800000 : f32
      %broadcast_in_dim3A_459 = vector.broadcast %jit3A_458 : f32 to vector<1024x512xf32>
      %select_n3A_460 = arith.select %eq3A_451, %broadcast_in_dim3A_459, %select_n3A_432 : vector<1024x512xi1>, vector<1024x512xf32>
      %reduce_max3A_461 = arith.constant dense<0xFF800000> : vector<512xf32>
      %reduce_max3A_462 = vector.multi_reduction <maximumf>, %select_n3A_460, %reduce_max3A_461 [0] : vector<1024x512xf32> to vector<512xf32>
      %broadcast_in_dim3A_463 = vector.shape_cast %reduce_max3A_462 : vector<512xf32> to vector<1x512xf32>
      %eq3A_464 = vector.broadcast %broadcast_in_dim3A_463 : vector<1x512xf32> to vector<1024x512xf32>
      %eq3A_465 = arith.cmpf oeq, %select_n3A_460, %eq3A_464 : vector<1024x512xf32>
      %jit3A_466 = arith.constant 65536 : i32
      %broadcast_in_dim3A_467 = vector.broadcast %jit3A_466 : i32 to vector<1024x512xi32>
      %select_n3A_468 = arith.select %eq3A_465, %get3A_41, %broadcast_in_dim3A_467 : vector<1024x512xi1>, vector<1024x512xi32>
      %reduce_min3A_469 = arith.constant dense<2147483647> : vector<512xi32>
      %reduce_min3A_470 = vector.multi_reduction <minsi>, %select_n3A_468, %reduce_min3A_469 [0] : vector<1024x512xi32> to vector<512xi32>
      %broadcast_in_dim3A_471 = vector.shape_cast %reduce_min3A_470 : vector<512xi32> to vector<1x512xi32>
      %shift_right_arithmetic3A_472 = arith.constant 6 : i32
      %shift_right_arithmetic3A_473 = vector.broadcast %shift_right_arithmetic3A_472 : i32 to vector<1024x512xi32>
      %shift_right_arithmetic3A_474 = arith.shrsi %get3A_41, %shift_right_arithmetic3A_473 : vector<1024x512xi32>
      %shift_right_arithmetic3A_475 = arith.constant 6 : i32
      %shift_right_arithmetic3A_476 = vector.broadcast %shift_right_arithmetic3A_475 : i32 to vector<1x512xi32>
      %shift_right_arithmetic3A_477 = arith.shrsi %broadcast_in_dim3A_471, %shift_right_arithmetic3A_476 : vector<1x512xi32>
      %eq3A_478 = vector.broadcast %shift_right_arithmetic3A_477 : vector<1x512xi32> to vector<1024x512xi32>
      %eq3A_479 = arith.cmpi eq, %shift_right_arithmetic3A_474, %eq3A_478 : vector<1024x512xi32>
      %swap3A_480 = arith.constant 15 : index
      %swap3A_481 = arith.constant 0 : index
      %swap3A_482 = vector.load %arg7[%swap3A_480, %swap3A_481] : memref<32x512xf32, #tpu.memory_space<vmem>>, vector<1x512xf32>
      tpu.vector_store %arg7[%swap3A_480, %swap3A_481], %broadcast_in_dim3A_463 {strides = array<i32>} : memref<32x512xf32, #tpu.memory_space<vmem>>, vector<1x512xf32>,
      %swap3A_483 = arith.constant 15 : index
      %swap3A_484 = arith.constant 0 : index
      %swap3A_485 = vector.load %arg8[%swap3A_483, %swap3A_484] : memref<32x512xi32, #tpu.memory_space<vmem>>, vector<1x512xi32>
      tpu.vector_store %arg8[%swap3A_483, %swap3A_484], %broadcast_in_dim3A_471 {strides = array<i32>} : memref<32x512xi32, #tpu.memory_space<vmem>>, vector<1x512xi32>,
      %jit3A_486 = arith.constant 0xFF800000 : f32
      %broadcast_in_dim3A_487 = vector.broadcast %jit3A_486 : f32 to vector<1024x512xf32>
      %select_n3A_488 = arith.select %eq3A_479, %broadcast_in_dim3A_487, %select_n3A_460 : vector<1024x512xi1>, vector<1024x512xf32>
      %reduce_max3A_489 = arith.constant dense<0xFF800000> : vector<512xf32>
      %reduce_max3A_490 = vector.multi_reduction <maximumf>, %select_n3A_488, %reduce_max3A_489 [0] : vector<1024x512xf32> to vector<512xf32>
      %broadcast_in_dim3A_491 = vector.shape_cast %reduce_max3A_490 : vector<512xf32> to vector<1x512xf32>
      %eq3A_492 = vector.broadcast %broadcast_in_dim3A_491 : vector<1x512xf32> to vector<1024x512xf32>
      %eq3A_493 = arith.cmpf oeq, %select_n3A_488, %eq3A_492 : vector<1024x512xf32>
      %jit3A_494 = arith.constant 65536 : i32
      %broadcast_in_dim3A_495 = vector.broadcast %jit3A_494 : i32 to vector<1024x512xi32>
      %select_n3A_496 = arith.select %eq3A_493, %get3A_41, %broadcast_in_dim3A_495 : vector<1024x512xi1>, vector<1024x512xi32>
      %reduce_min3A_497 = arith.constant dense<2147483647> : vector<512xi32>
      %reduce_min3A_498 = vector.multi_reduction <minsi>, %select_n3A_496, %reduce_min3A_497 [0] : vector<1024x512xi32> to vector<512xi32>
      %broadcast_in_dim3A_499 = vector.shape_cast %reduce_min3A_498 : vector<512xi32> to vector<1x512xi32>
      %shift_right_arithmetic3A_500 = arith.constant 6 : i32
      %shift_right_arithmetic3A_501 = vector.broadcast %shift_right_arithmetic3A_500 : i32 to vector<1024x512xi32>
      %shift_right_arithmetic3A_502 = arith.shrsi %get3A_41, %shift_right_arithmetic3A_501 : vector<1024x512xi32>
      %shift_right_arithmetic3A_503 = arith.constant 6 : i32
      %shift_right_arithmetic3A_504 = vector.broadcast %shift_right_arithmetic3A_503 : i32 to vector<1x512xi32>
      %shift_right_arithmetic3A_505 = arith.shrsi %broadcast_in_dim3A_499, %shift_right_arithmetic3A_504 : vector<1x512xi32>
      %eq3A_506 = vector.broadcast %shift_right_arithmetic3A_505 : vector<1x512xi32> to vector<1024x512xi32>
      %eq3A_507 = arith.cmpi eq, %shift_right_arithmetic3A_502, %eq3A_506 : vector<1024x512xi32>
      %swap3A_508 = arith.constant 16 : index
      %swap3A_509 = arith.constant 0 : index
      %swap3A_510 = vector.load %arg7[%swap3A_508, %swap3A_509] : memref<32x512xf32, #tpu.memory_space<vmem>>, vector<1x512xf32>
      tpu.vector_store %arg7[%swap3A_508, %swap3A_509], %broadcast_in_dim3A_491 {strides = array<i32>} : memref<32x512xf32, #tpu.memory_space<vmem>>, vector<1x512xf32>,
      %swap3A_511 = arith.constant 16 : index
      %swap3A_512 = arith.constant 0 : index
      %swap3A_513 = vector.load %arg8[%swap3A_511, %swap3A_512] : memref<32x512xi32, #tpu.memory_space<vmem>>, vector<1x512xi32>
      tpu.vector_store %arg8[%swap3A_511, %swap3A_512], %broadcast_in_dim3A_499 {strides = array<i32>} : memref<32x512xi32, #tpu.memory_space<vmem>>, vector<1x512xi32>,
      %jit3A_514 = arith.constant 0xFF800000 : f32
      %broadcast_in_dim3A_515 = vector.broadcast %jit3A_514 : f32 to vector<1024x512xf32>
      %select_n3A_516 = arith.select %eq3A_507, %broadcast_in_dim3A_515, %select_n3A_488 : vector<1024x512xi1>, vector<1024x512xf32>
      %reduce_max3A_517 = arith.constant dense<0xFF800000> : vector<512xf32>
      %reduce_max3A_518 = vector.multi_reduction <maximumf>, %select_n3A_516, %reduce_max3A_517 [0] : vector<1024x512xf32> to vector<512xf32>
      %broadcast_in_dim3A_519 = vector.shape_cast %reduce_max3A_518 : vector<512xf32> to vector<1x512xf32>
      %eq3A_520 = vector.broadcast %broadcast_in_dim3A_519 : vector<1x512xf32> to vector<1024x512xf32>
      %eq3A_521 = arith.cmpf oeq, %select_n3A_516, %eq3A_520 : vector<1024x512xf32>
      %jit3A_522 = arith.constant 65536 : i32
      %broadcast_in_dim3A_523 = vector.broadcast %jit3A_522 : i32 to vector<1024x512xi32>
      %select_n3A_524 = arith.select %eq3A_521, %get3A_41, %broadcast_in_dim3A_523 : vector<1024x512xi1>, vector<1024x512xi32>
      %reduce_min3A_525 = arith.constant dense<2147483647> : vector<512xi32>
      %reduce_min3A_526 = vector.multi_reduction <minsi>, %select_n3A_524, %reduce_min3A_525 [0] : vector<1024x512xi32> to vector<512xi32>
      %broadcast_in_dim3A_527 = vector.shape_cast %reduce_min3A_526 : vector<512xi32> to vector<1x512xi32>
      %shift_right_arithmetic3A_528 = arith.constant 6 : i32
      %shift_right_arithmetic3A_529 = vector.broadcast %shift_right_arithmetic3A_528 : i32 to vector<1024x512xi32>
      %shift_right_arithmetic3A_530 = arith.shrsi %get3A_41, %shift_right_arithmetic3A_529 : vector<1024x512xi32>
      %shift_right_arithmetic3A_531 = arith.constant 6 : i32
      %shift_right_arithmetic3A_532 = vector.broadcast %shift_right_arithmetic3A_531 : i32 to vector<1x512xi32>
      %shift_right_arithmetic3A_533 = arith.shrsi %broadcast_in_dim3A_527, %shift_right_arithmetic3A_532 : vector<1x512xi32>
      %eq3A_534 = vector.broadcast %shift_right_arithmetic3A_533 : vector<1x512xi32> to vector<1024x512xi32>
      %eq3A_535 = arith.cmpi eq, %shift_right_arithmetic3A_530, %eq3A_534 : vector<1024x512xi32>
      %swap3A_536 = arith.constant 17 : index
      %swap3A_537 = arith.constant 0 : index
      %swap3A_538 = vector.load %arg7[%swap3A_536, %swap3A_537] : memref<32x512xf32, #tpu.memory_space<vmem>>, vector<1x512xf32>
      tpu.vector_store %arg7[%swap3A_536, %swap3A_537], %broadcast_in_dim3A_519 {strides = array<i32>} : memref<32x512xf32, #tpu.memory_space<vmem>>, vector<1x512xf32>,
      %swap3A_539 = arith.constant 17 : index
      %swap3A_540 = arith.constant 0 : index
      %swap3A_541 = vector.load %arg8[%swap3A_539, %swap3A_540] : memref<32x512xi32, #tpu.memory_space<vmem>>, vector<1x512xi32>
      tpu.vector_store %arg8[%swap3A_539, %swap3A_540], %broadcast_in_dim3A_527 {strides = array<i32>} : memref<32x512xi32, #tpu.memory_space<vmem>>, vector<1x512xi32>,
      %jit3A_542 = arith.constant 0xFF800000 : f32
      %broadcast_in_dim3A_543 = vector.broadcast %jit3A_542 : f32 to vector<1024x512xf32>
      %select_n3A_544 = arith.select %eq3A_535, %broadcast_in_dim3A_543, %select_n3A_516 : vector<1024x512xi1>, vector<1024x512xf32>
      %reduce_max3A_545 = arith.constant dense<0xFF800000> : vector<512xf32>
      %reduce_max3A_546 = vector.multi_reduction <maximumf>, %select_n3A_544, %reduce_max3A_545 [0] : vector<1024x512xf32> to vector<512xf32>
      %broadcast_in_dim3A_547 = vector.shape_cast %reduce_max3A_546 : vector<512xf32> to vector<1x512xf32>
      %eq3A_548 = vector.broadcast %broadcast_in_dim3A_547 : vector<1x512xf32> to vector<1024x512xf32>
      %eq3A_549 = arith.cmpf oeq, %select_n3A_544, %eq3A_548 : vector<1024x512xf32>
      %jit3A_550 = arith.constant 65536 : i32
      %broadcast_in_dim3A_551 = vector.broadcast %jit3A_550 : i32 to vector<1024x512xi32>
      %select_n3A_552 = arith.select %eq3A_549, %get3A_41, %broadcast_in_dim3A_551 : vector<1024x512xi1>, vector<1024x512xi32>
      %reduce_min3A_553 = arith.constant dense<2147483647> : vector<512xi32>
      %reduce_min3A_554 = vector.multi_reduction <minsi>, %select_n3A_552, %reduce_min3A_553 [0] : vector<1024x512xi32> to vector<512xi32>
      %broadcast_in_dim3A_555 = vector.shape_cast %reduce_min3A_554 : vector<512xi32> to vector<1x512xi32>
      %shift_right_arithmetic3A_556 = arith.constant 6 : i32
      %shift_right_arithmetic3A_557 = vector.broadcast %shift_right_arithmetic3A_556 : i32 to vector<1024x512xi32>
      %shift_right_arithmetic3A_558 = arith.shrsi %get3A_41, %shift_right_arithmetic3A_557 : vector<1024x512xi32>
      %shift_right_arithmetic3A_559 = arith.constant 6 : i32
      %shift_right_arithmetic3A_560 = vector.broadcast %shift_right_arithmetic3A_559 : i32 to vector<1x512xi32>
      %shift_right_arithmetic3A_561 = arith.shrsi %broadcast_in_dim3A_555, %shift_right_arithmetic3A_560 : vector<1x512xi32>
      %eq3A_562 = vector.broadcast %shift_right_arithmetic3A_561 : vector<1x512xi32> to vector<1024x512xi32>
      %eq3A_563 = arith.cmpi eq, %shift_right_arithmetic3A_558, %eq3A_562 : vector<1024x512xi32>
      %swap3A_564 = arith.constant 18 : index
      %swap3A_565 = arith.constant 0 : index
      %swap3A_566 = vector.load %arg7[%swap3A_564, %swap3A_565] : memref<32x512xf32, #tpu.memory_space<vmem>>, vector<1x512xf32>
      tpu.vector_store %arg7[%swap3A_564, %swap3A_565], %broadcast_in_dim3A_547 {strides = array<i32>} : memref<32x512xf32, #tpu.memory_space<vmem>>, vector<1x512xf32>,
      %swap3A_567 = arith.constant 18 : index
      %swap3A_568 = arith.constant 0 : index
      %swap3A_569 = vector.load %arg8[%swap3A_567, %swap3A_568] : memref<32x512xi32, #tpu.memory_space<vmem>>, vector<1x512xi32>
      tpu.vector_store %arg8[%swap3A_567, %swap3A_568], %broadcast_in_dim3A_555 {strides = array<i32>} : memref<32x512xi32, #tpu.memory_space<vmem>>, vector<1x512xi32>,
      %jit3A_570 = arith.constant 0xFF800000 : f32
      %broadcast_in_dim3A_571 = vector.broadcast %jit3A_570 : f32 to vector<1024x512xf32>
      %select_n3A_572 = arith.select %eq3A_563, %broadcast_in_dim3A_571, %select_n3A_544 : vector<1024x512xi1>, vector<1024x512xf32>
      %reduce_max3A_573 = arith.constant dense<0xFF800000> : vector<512xf32>
      %reduce_max3A_574 = vector.multi_reduction <maximumf>, %select_n3A_572, %reduce_max3A_573 [0] : vector<1024x512xf32> to vector<512xf32>
      %broadcast_in_dim3A_575 = vector.shape_cast %reduce_max3A_574 : vector<512xf32> to vector<1x512xf32>
      %eq3A_576 = vector.broadcast %broadcast_in_dim3A_575 : vector<1x512xf32> to vector<1024x512xf32>
      %eq3A_577 = arith.cmpf oeq, %select_n3A_572, %eq3A_576 : vector<1024x512xf32>
      %jit3A_578 = arith.constant 65536 : i32
      %broadcast_in_dim3A_579 = vector.broadcast %jit3A_578 : i32 to vector<1024x512xi32>
      %select_n3A_580 = arith.select %eq3A_577, %get3A_41, %broadcast_in_dim3A_579 : vector<1024x512xi1>, vector<1024x512xi32>
      %reduce_min3A_581 = arith.constant dense<2147483647> : vector<512xi32>
      %reduce_min3A_582 = vector.multi_reduction <minsi>, %select_n3A_580, %reduce_min3A_581 [0] : vector<1024x512xi32> to vector<512xi32>
      %broadcast_in_dim3A_583 = vector.shape_cast %reduce_min3A_582 : vector<512xi32> to vector<1x512xi32>
      %shift_right_arithmetic3A_584 = arith.constant 6 : i32
      %shift_right_arithmetic3A_585 = vector.broadcast %shift_right_arithmetic3A_584 : i32 to vector<1024x512xi32>
      %shift_right_arithmetic3A_586 = arith.shrsi %get3A_41, %shift_right_arithmetic3A_585 : vector<1024x512xi32>
      %shift_right_arithmetic3A_587 = arith.constant 6 : i32
      %shift_right_arithmetic3A_588 = vector.broadcast %shift_right_arithmetic3A_587 : i32 to vector<1x512xi32>
      %shift_right_arithmetic3A_589 = arith.shrsi %broadcast_in_dim3A_583, %shift_right_arithmetic3A_588 : vector<1x512xi32>
      %eq3A_590 = vector.broadcast %shift_right_arithmetic3A_589 : vector<1x512xi32> to vector<1024x512xi32>
      %eq3A_591 = arith.cmpi eq, %shift_right_arithmetic3A_586, %eq3A_590 : vector<1024x512xi32>
      %swap3A_592 = arith.constant 19 : index
      %swap3A_593 = arith.constant 0 : index
      %swap3A_594 = vector.load %arg7[%swap3A_592, %swap3A_593] : memref<32x512xf32, #tpu.memory_space<vmem>>, vector<1x512xf32>
      tpu.vector_store %arg7[%swap3A_592, %swap3A_593], %broadcast_in_dim3A_575 {strides = array<i32>} : memref<32x512xf32, #tpu.memory_space<vmem>>, vector<1x512xf32>,
      %swap3A_595 = arith.constant 19 : index
      %swap3A_596 = arith.constant 0 : index
      %swap3A_597 = vector.load %arg8[%swap3A_595, %swap3A_596] : memref<32x512xi32, #tpu.memory_space<vmem>>, vector<1x512xi32>
      tpu.vector_store %arg8[%swap3A_595, %swap3A_596], %broadcast_in_dim3A_583 {strides = array<i32>} : memref<32x512xi32, #tpu.memory_space<vmem>>, vector<1x512xi32>,
      %jit3A_598 = arith.constant 0xFF800000 : f32
      %broadcast_in_dim3A_599 = vector.broadcast %jit3A_598 : f32 to vector<1024x512xf32>
      %select_n3A_600 = arith.select %eq3A_591, %broadcast_in_dim3A_599, %select_n3A_572 : vector<1024x512xi1>, vector<1024x512xf32>
      %reduce_max3A_601 = arith.constant dense<0xFF800000> : vector<512xf32>
      %reduce_max3A_602 = vector.multi_reduction <maximumf>, %select_n3A_600, %reduce_max3A_601 [0] : vector<1024x512xf32> to vector<512xf32>
      %broadcast_in_dim3A_603 = vector.shape_cast %reduce_max3A_602 : vector<512xf32> to vector<1x512xf32>
      %eq3A_604 = vector.broadcast %broadcast_in_dim3A_603 : vector<1x512xf32> to vector<1024x512xf32>
      %eq3A_605 = arith.cmpf oeq, %select_n3A_600, %eq3A_604 : vector<1024x512xf32>
      %jit3A_606 = arith.constant 65536 : i32
      %broadcast_in_dim3A_607 = vector.broadcast %jit3A_606 : i32 to vector<1024x512xi32>
      %select_n3A_608 = arith.select %eq3A_605, %get3A_41, %broadcast_in_dim3A_607 : vector<1024x512xi1>, vector<1024x512xi32>
      %reduce_min3A_609 = arith.constant dense<2147483647> : vector<512xi32>
      %reduce_min3A_610 = vector.multi_reduction <minsi>, %select_n3A_608, %reduce_min3A_609 [0] : vector<1024x512xi32> to vector<512xi32>
      %broadcast_in_dim3A_611 = vector.shape_cast %reduce_min3A_610 : vector<512xi32> to vector<1x512xi32>
      %shift_right_arithmetic3A_612 = arith.constant 6 : i32
      %shift_right_arithmetic3A_613 = vector.broadcast %shift_right_arithmetic3A_612 : i32 to vector<1024x512xi32>
      %shift_right_arithmetic3A_614 = arith.shrsi %get3A_41, %shift_right_arithmetic3A_613 : vector<1024x512xi32>
      %shift_right_arithmetic3A_615 = arith.constant 6 : i32
      %shift_right_arithmetic3A_616 = vector.broadcast %shift_right_arithmetic3A_615 : i32 to vector<1x512xi32>
      %shift_right_arithmetic3A_617 = arith.shrsi %broadcast_in_dim3A_611, %shift_right_arithmetic3A_616 : vector<1x512xi32>
      %eq3A_618 = vector.broadcast %shift_right_arithmetic3A_617 : vector<1x512xi32> to vector<1024x512xi32>
      %eq3A_619 = arith.cmpi eq, %shift_right_arithmetic3A_614, %eq3A_618 : vector<1024x512xi32>
      %swap3A_620 = arith.constant 20 : index
      %swap3A_621 = arith.constant 0 : index
      %swap3A_622 = vector.load %arg7[%swap3A_620, %swap3A_621] : memref<32x512xf32, #tpu.memory_space<vmem>>, vector<1x512xf32>
      tpu.vector_store %arg7[%swap3A_620, %swap3A_621], %broadcast_in_dim3A_603 {strides = array<i32>} : memref<32x512xf32, #tpu.memory_space<vmem>>, vector<1x512xf32>,
      %swap3A_623 = arith.constant 20 : index
      %swap3A_624 = arith.constant 0 : index
      %swap3A_625 = vector.load %arg8[%swap3A_623, %swap3A_624] : memref<32x512xi32, #tpu.memory_space<vmem>>, vector<1x512xi32>
      tpu.vector_store %arg8[%swap3A_623, %swap3A_624], %broadcast_in_dim3A_611 {strides = array<i32>} : memref<32x512xi32, #tpu.memory_space<vmem>>, vector<1x512xi32>,
      %jit3A_626 = arith.constant 0xFF800000 : f32
      %broadcast_in_dim3A_627 = vector.broadcast %jit3A_626 : f32 to vector<1024x512xf32>
      %select_n3A_628 = arith.select %eq3A_619, %broadcast_in_dim3A_627, %select_n3A_600 : vector<1024x512xi1>, vector<1024x512xf32>
      %reduce_max3A_629 = arith.constant dense<0xFF800000> : vector<512xf32>
      %reduce_max3A_630 = vector.multi_reduction <maximumf>, %select_n3A_628, %reduce_max3A_629 [0] : vector<1024x512xf32> to vector<512xf32>
      %broadcast_in_dim3A_631 = vector.shape_cast %reduce_max3A_630 : vector<512xf32> to vector<1x512xf32>
      %eq3A_632 = vector.broadcast %broadcast_in_dim3A_631 : vector<1x512xf32> to vector<1024x512xf32>
      %eq3A_633 = arith.cmpf oeq, %select_n3A_628, %eq3A_632 : vector<1024x512xf32>
      %jit3A_634 = arith.constant 65536 : i32
      %broadcast_in_dim3A_635 = vector.broadcast %jit3A_634 : i32 to vector<1024x512xi32>
      %select_n3A_636 = arith.select %eq3A_633, %get3A_41, %broadcast_in_dim3A_635 : vector<1024x512xi1>, vector<1024x512xi32>
      %reduce_min3A_637 = arith.constant dense<2147483647> : vector<512xi32>
      %reduce_min3A_638 = vector.multi_reduction <minsi>, %select_n3A_636, %reduce_min3A_637 [0] : vector<1024x512xi32> to vector<512xi32>
      %broadcast_in_dim3A_639 = vector.shape_cast %reduce_min3A_638 : vector<512xi32> to vector<1x512xi32>
      %shift_right_arithmetic3A_640 = arith.constant 6 : i32
      %shift_right_arithmetic3A_641 = vector.broadcast %shift_right_arithmetic3A_640 : i32 to vector<1024x512xi32>
      %shift_right_arithmetic3A_642 = arith.shrsi %get3A_41, %shift_right_arithmetic3A_641 : vector<1024x512xi32>
      %shift_right_arithmetic3A_643 = arith.constant 6 : i32
      %shift_right_arithmetic3A_644 = vector.broadcast %shift_right_arithmetic3A_643 : i32 to vector<1x512xi32>
      %shift_right_arithmetic3A_645 = arith.shrsi %broadcast_in_dim3A_639, %shift_right_arithmetic3A_644 : vector<1x512xi32>
      %eq3A_646 = vector.broadcast %shift_right_arithmetic3A_645 : vector<1x512xi32> to vector<1024x512xi32>
      %eq3A_647 = arith.cmpi eq, %shift_right_arithmetic3A_642, %eq3A_646 : vector<1024x512xi32>
      %swap3A_648 = arith.constant 21 : index
      %swap3A_649 = arith.constant 0 : index
      %swap3A_650 = vector.load %arg7[%swap3A_648, %swap3A_649] : memref<32x512xf32, #tpu.memory_space<vmem>>, vector<1x512xf32>
      tpu.vector_store %arg7[%swap3A_648, %swap3A_649], %broadcast_in_dim3A_631 {strides = array<i32>} : memref<32x512xf32, #tpu.memory_space<vmem>>, vector<1x512xf32>,
      %swap3A_651 = arith.constant 21 : index
      %swap3A_652 = arith.constant 0 : index
      %swap3A_653 = vector.load %arg8[%swap3A_651, %swap3A_652] : memref<32x512xi32, #tpu.memory_space<vmem>>, vector<1x512xi32>
      tpu.vector_store %arg8[%swap3A_651, %swap3A_652], %broadcast_in_dim3A_639 {strides = array<i32>} : memref<32x512xi32, #tpu.memory_space<vmem>>, vector<1x512xi32>,
      %jit3A_654 = arith.constant 0xFF800000 : f32
      %broadcast_in_dim3A_655 = vector.broadcast %jit3A_654 : f32 to vector<1024x512xf32>
      %select_n3A_656 = arith.select %eq3A_647, %broadcast_in_dim3A_655, %select_n3A_628 : vector<1024x512xi1>, vector<1024x512xf32>
      %reduce_max3A_657 = arith.constant dense<0xFF800000> : vector<512xf32>
      %reduce_max3A_658 = vector.multi_reduction <maximumf>, %select_n3A_656, %reduce_max3A_657 [0] : vector<1024x512xf32> to vector<512xf32>
      %broadcast_in_dim3A_659 = vector.shape_cast %reduce_max3A_658 : vector<512xf32> to vector<1x512xf32>
      %eq3A_660 = vector.broadcast %broadcast_in_dim3A_659 : vector<1x512xf32> to vector<1024x512xf32>
      %eq3A_661 = arith.cmpf oeq, %select_n3A_656, %eq3A_660 : vector<1024x512xf32>
      %jit3A_662 = arith.constant 65536 : i32
      %broadcast_in_dim3A_663 = vector.broadcast %jit3A_662 : i32 to vector<1024x512xi32>
      %select_n3A_664 = arith.select %eq3A_661, %get3A_41, %broadcast_in_dim3A_663 : vector<1024x512xi1>, vector<1024x512xi32>
      %reduce_min3A_665 = arith.constant dense<2147483647> : vector<512xi32>
      %reduce_min3A_666 = vector.multi_reduction <minsi>, %select_n3A_664, %reduce_min3A_665 [0] : vector<1024x512xi32> to vector<512xi32>
      %broadcast_in_dim3A_667 = vector.shape_cast %reduce_min3A_666 : vector<512xi32> to vector<1x512xi32>
      %shift_right_arithmetic3A_668 = arith.constant 6 : i32
      %shift_right_arithmetic3A_669 = vector.broadcast %shift_right_arithmetic3A_668 : i32 to vector<1024x512xi32>
      %shift_right_arithmetic3A_670 = arith.shrsi %get3A_41, %shift_right_arithmetic3A_669 : vector<1024x512xi32>
      %shift_right_arithmetic3A_671 = arith.constant 6 : i32
      %shift_right_arithmetic3A_672 = vector.broadcast %shift_right_arithmetic3A_671 : i32 to vector<1x512xi32>
      %shift_right_arithmetic3A_673 = arith.shrsi %broadcast_in_dim3A_667, %shift_right_arithmetic3A_672 : vector<1x512xi32>
      %eq3A_674 = vector.broadcast %shift_right_arithmetic3A_673 : vector<1x512xi32> to vector<1024x512xi32>
      %eq3A_675 = arith.cmpi eq, %shift_right_arithmetic3A_670, %eq3A_674 : vector<1024x512xi32>
      %swap3A_676 = arith.constant 22 : index
      %swap3A_677 = arith.constant 0 : index
      %swap3A_678 = vector.load %arg7[%swap3A_676, %swap3A_677] : memref<32x512xf32, #tpu.memory_space<vmem>>, vector<1x512xf32>
      tpu.vector_store %arg7[%swap3A_676, %swap3A_677], %broadcast_in_dim3A_659 {strides = array<i32>} : memref<32x512xf32, #tpu.memory_space<vmem>>, vector<1x512xf32>,
      %swap3A_679 = arith.constant 22 : index
      %swap3A_680 = arith.constant 0 : index
      %swap3A_681 = vector.load %arg8[%swap3A_679, %swap3A_680] : memref<32x512xi32, #tpu.memory_space<vmem>>, vector<1x512xi32>
      tpu.vector_store %arg8[%swap3A_679, %swap3A_680], %broadcast_in_dim3A_667 {strides = array<i32>} : memref<32x512xi32, #tpu.memory_space<vmem>>, vector<1x512xi32>,
      %jit3A_682 = arith.constant 0xFF800000 : f32
      %broadcast_in_dim3A_683 = vector.broadcast %jit3A_682 : f32 to vector<1024x512xf32>
      %select_n3A_684 = arith.select %eq3A_675, %broadcast_in_dim3A_683, %select_n3A_656 : vector<1024x512xi1>, vector<1024x512xf32>
      %reduce_max3A_685 = arith.constant dense<0xFF800000> : vector<512xf32>
      %reduce_max3A_686 = vector.multi_reduction <maximumf>, %select_n3A_684, %reduce_max3A_685 [0] : vector<1024x512xf32> to vector<512xf32>
      %broadcast_in_dim3A_687 = vector.shape_cast %reduce_max3A_686 : vector<512xf32> to vector<1x512xf32>
      %eq3A_688 = vector.broadcast %broadcast_in_dim3A_687 : vector<1x512xf32> to vector<1024x512xf32>
      %eq3A_689 = arith.cmpf oeq, %select_n3A_684, %eq3A_688 : vector<1024x512xf32>
      %jit3A_690 = arith.constant 65536 : i32
      %broadcast_in_dim3A_691 = vector.broadcast %jit3A_690 : i32 to vector<1024x512xi32>
      %select_n3A_692 = arith.select %eq3A_689, %get3A_41, %broadcast_in_dim3A_691 : vector<1024x512xi1>, vector<1024x512xi32>
      %reduce_min3A_693 = arith.constant dense<2147483647> : vector<512xi32>
      %reduce_min3A_694 = vector.multi_reduction <minsi>, %select_n3A_692, %reduce_min3A_693 [0] : vector<1024x512xi32> to vector<512xi32>
      %broadcast_in_dim3A_695 = vector.shape_cast %reduce_min3A_694 : vector<512xi32> to vector<1x512xi32>
      %shift_right_arithmetic3A_696 = arith.constant 6 : i32
      %shift_right_arithmetic3A_697 = vector.broadcast %shift_right_arithmetic3A_696 : i32 to vector<1024x512xi32>
      %shift_right_arithmetic3A_698 = arith.shrsi %get3A_41, %shift_right_arithmetic3A_697 : vector<1024x512xi32>
      %shift_right_arithmetic3A_699 = arith.constant 6 : i32
      %shift_right_arithmetic3A_700 = vector.broadcast %shift_right_arithmetic3A_699 : i32 to vector<1x512xi32>
      %shift_right_arithmetic3A_701 = arith.shrsi %broadcast_in_dim3A_695, %shift_right_arithmetic3A_700 : vector<1x512xi32>
      %eq3A_702 = vector.broadcast %shift_right_arithmetic3A_701 : vector<1x512xi32> to vector<1024x512xi32>
      %eq3A_703 = arith.cmpi eq, %shift_right_arithmetic3A_698, %eq3A_702 : vector<1024x512xi32>
      %swap3A_704 = arith.constant 23 : index
      %swap3A_705 = arith.constant 0 : index
      %swap3A_706 = vector.load %arg7[%swap3A_704, %swap3A_705] : memref<32x512xf32, #tpu.memory_space<vmem>>, vector<1x512xf32>
      tpu.vector_store %arg7[%swap3A_704, %swap3A_705], %broadcast_in_dim3A_687 {strides = array<i32>} : memref<32x512xf32, #tpu.memory_space<vmem>>, vector<1x512xf32>,
      %swap3A_707 = arith.constant 23 : index
      %swap3A_708 = arith.constant 0 : index
      %swap3A_709 = vector.load %arg8[%swap3A_707, %swap3A_708] : memref<32x512xi32, #tpu.memory_space<vmem>>, vector<1x512xi32>
      tpu.vector_store %arg8[%swap3A_707, %swap3A_708], %broadcast_in_dim3A_695 {strides = array<i32>} : memref<32x512xi32, #tpu.memory_space<vmem>>, vector<1x512xi32>,
      %jit3A_710 = arith.constant 0xFF800000 : f32
      %broadcast_in_dim3A_711 = vector.broadcast %jit3A_710 : f32 to vector<1024x512xf32>
      %select_n3A_712 = arith.select %eq3A_703, %broadcast_in_dim3A_711, %select_n3A_684 : vector<1024x512xi1>, vector<1024x512xf32>
      %reduce_max3A_713 = arith.constant dense<0xFF800000> : vector<512xf32>
      %reduce_max3A_714 = vector.multi_reduction <maximumf>, %select_n3A_712, %reduce_max3A_713 [0] : vector<1024x512xf32> to vector<512xf32>
      %broadcast_in_dim3A_715 = vector.shape_cast %reduce_max3A_714 : vector<512xf32> to vector<1x512xf32>
      %eq3A_716 = vector.broadcast %broadcast_in_dim3A_715 : vector<1x512xf32> to vector<1024x512xf32>
      %eq3A_717 = arith.cmpf oeq, %select_n3A_712, %eq3A_716 : vector<1024x512xf32>
      %jit3A_718 = arith.constant 65536 : i32
      %broadcast_in_dim3A_719 = vector.broadcast %jit3A_718 : i32 to vector<1024x512xi32>
      %select_n3A_720 = arith.select %eq3A_717, %get3A_41, %broadcast_in_dim3A_719 : vector<1024x512xi1>, vector<1024x512xi32>
      %reduce_min3A_721 = arith.constant dense<2147483647> : vector<512xi32>
      %reduce_min3A_722 = vector.multi_reduction <minsi>, %select_n3A_720, %reduce_min3A_721 [0] : vector<1024x512xi32> to vector<512xi32>
      %broadcast_in_dim3A_723 = vector.shape_cast %reduce_min3A_722 : vector<512xi32> to vector<1x512xi32>
      %shift_right_arithmetic3A_724 = arith.constant 6 : i32
      %shift_right_arithmetic3A_725 = vector.broadcast %shift_right_arithmetic3A_724 : i32 to vector<1024x512xi32>
      %shift_right_arithmetic3A_726 = arith.shrsi %get3A_41, %shift_right_arithmetic3A_725 : vector<1024x512xi32>
      %shift_right_arithmetic3A_727 = arith.constant 6 : i32
      %shift_right_arithmetic3A_728 = vector.broadcast %shift_right_arithmetic3A_727 : i32 to vector<1x512xi32>
      %shift_right_arithmetic3A_729 = arith.shrsi %broadcast_in_dim3A_723, %shift_right_arithmetic3A_728 : vector<1x512xi32>
      %eq3A_730 = vector.broadcast %shift_right_arithmetic3A_729 : vector<1x512xi32> to vector<1024x512xi32>
      %eq3A_731 = arith.cmpi eq, %shift_right_arithmetic3A_726, %eq3A_730 : vector<1024x512xi32>
      %swap3A_732 = arith.constant 24 : index
      %swap3A_733 = arith.constant 0 : index
      %swap3A_734 = vector.load %arg7[%swap3A_732, %swap3A_733] : memref<32x512xf32, #tpu.memory_space<vmem>>, vector<1x512xf32>
      tpu.vector_store %arg7[%swap3A_732, %swap3A_733], %broadcast_in_dim3A_715 {strides = array<i32>} : memref<32x512xf32, #tpu.memory_space<vmem>>, vector<1x512xf32>,
      %swap3A_735 = arith.constant 24 : index
      %swap3A_736 = arith.constant 0 : index
      %swap3A_737 = vector.load %arg8[%swap3A_735, %swap3A_736] : memref<32x512xi32, #tpu.memory_space<vmem>>, vector<1x512xi32>
      tpu.vector_store %arg8[%swap3A_735, %swap3A_736], %broadcast_in_dim3A_723 {strides = array<i32>} : memref<32x512xi32, #tpu.memory_space<vmem>>, vector<1x512xi32>,
      %jit3A_738 = arith.constant 0xFF800000 : f32
      %broadcast_in_dim3A_739 = vector.broadcast %jit3A_738 : f32 to vector<1024x512xf32>
      %select_n3A_740 = arith.select %eq3A_731, %broadcast_in_dim3A_739, %select_n3A_712 : vector<1024x512xi1>, vector<1024x512xf32>
      %reduce_max3A_741 = arith.constant dense<0xFF800000> : vector<512xf32>
      %reduce_max3A_742 = vector.multi_reduction <maximumf>, %select_n3A_740, %reduce_max3A_741 [0] : vector<1024x512xf32> to vector<512xf32>
      %broadcast_in_dim3A_743 = vector.shape_cast %reduce_max3A_742 : vector<512xf32> to vector<1x512xf32>
      %eq3A_744 = vector.broadcast %broadcast_in_dim3A_743 : vector<1x512xf32> to vector<1024x512xf32>
      %eq3A_745 = arith.cmpf oeq, %select_n3A_740, %eq3A_744 : vector<1024x512xf32>
      %jit3A_746 = arith.constant 65536 : i32
      %broadcast_in_dim3A_747 = vector.broadcast %jit3A_746 : i32 to vector<1024x512xi32>
      %select_n3A_748 = arith.select %eq3A_745, %get3A_41, %broadcast_in_dim3A_747 : vector<1024x512xi1>, vector<1024x512xi32>
      %reduce_min3A_749 = arith.constant dense<2147483647> : vector<512xi32>
      %reduce_min3A_750 = vector.multi_reduction <minsi>, %select_n3A_748, %reduce_min3A_749 [0] : vector<1024x512xi32> to vector<512xi32>
      %broadcast_in_dim3A_751 = vector.shape_cast %reduce_min3A_750 : vector<512xi32> to vector<1x512xi32>
      %shift_right_arithmetic3A_752 = arith.constant 6 : i32
      %shift_right_arithmetic3A_753 = vector.broadcast %shift_right_arithmetic3A_752 : i32 to vector<1024x512xi32>
      %shift_right_arithmetic3A_754 = arith.shrsi %get3A_41, %shift_right_arithmetic3A_753 : vector<1024x512xi32>
      %shift_right_arithmetic3A_755 = arith.constant 6 : i32
      %shift_right_arithmetic3A_756 = vector.broadcast %shift_right_arithmetic3A_755 : i32 to vector<1x512xi32>
      %shift_right_arithmetic3A_757 = arith.shrsi %broadcast_in_dim3A_751, %shift_right_arithmetic3A_756 : vector<1x512xi32>
      %eq3A_758 = vector.broadcast %shift_right_arithmetic3A_757 : vector<1x512xi32> to vector<1024x512xi32>
      %eq3A_759 = arith.cmpi eq, %shift_right_arithmetic3A_754, %eq3A_758 : vector<1024x512xi32>
      %swap3A_760 = arith.constant 25 : index
      %swap3A_761 = arith.constant 0 : index
      %swap3A_762 = vector.load %arg7[%swap3A_760, %swap3A_761] : memref<32x512xf32, #tpu.memory_space<vmem>>, vector<1x512xf32>
      tpu.vector_store %arg7[%swap3A_760, %swap3A_761], %broadcast_in_dim3A_743 {strides = array<i32>} : memref<32x512xf32, #tpu.memory_space<vmem>>, vector<1x512xf32>,
      %swap3A_763 = arith.constant 25 : index
      %swap3A_764 = arith.constant 0 : index
      %swap3A_765 = vector.load %arg8[%swap3A_763, %swap3A_764] : memref<32x512xi32, #tpu.memory_space<vmem>>, vector<1x512xi32>
      tpu.vector_store %arg8[%swap3A_763, %swap3A_764], %broadcast_in_dim3A_751 {strides = array<i32>} : memref<32x512xi32, #tpu.memory_space<vmem>>, vector<1x512xi32>,
      %jit3A_766 = arith.constant 0xFF800000 : f32
      %broadcast_in_dim3A_767 = vector.broadcast %jit3A_766 : f32 to vector<1024x512xf32>
      %select_n3A_768 = arith.select %eq3A_759, %broadcast_in_dim3A_767, %select_n3A_740 : vector<1024x512xi1>, vector<1024x512xf32>
      %reduce_max3A_769 = arith.constant dense<0xFF800000> : vector<512xf32>
      %reduce_max3A_770 = vector.multi_reduction <maximumf>, %select_n3A_768, %reduce_max3A_769 [0] : vector<1024x512xf32> to vector<512xf32>
      %broadcast_in_dim3A_771 = vector.shape_cast %reduce_max3A_770 : vector<512xf32> to vector<1x512xf32>
      %eq3A_772 = vector.broadcast %broadcast_in_dim3A_771 : vector<1x512xf32> to vector<1024x512xf32>
      %eq3A_773 = arith.cmpf oeq, %select_n3A_768, %eq3A_772 : vector<1024x512xf32>
      %jit3A_774 = arith.constant 65536 : i32
      %broadcast_in_dim3A_775 = vector.broadcast %jit3A_774 : i32 to vector<1024x512xi32>
      %select_n3A_776 = arith.select %eq3A_773, %get3A_41, %broadcast_in_dim3A_775 : vector<1024x512xi1>, vector<1024x512xi32>
      %reduce_min3A_777 = arith.constant dense<2147483647> : vector<512xi32>
      %reduce_min3A_778 = vector.multi_reduction <minsi>, %select_n3A_776, %reduce_min3A_777 [0] : vector<1024x512xi32> to vector<512xi32>
      %broadcast_in_dim3A_779 = vector.shape_cast %reduce_min3A_778 : vector<512xi32> to vector<1x512xi32>
      %shift_right_arithmetic3A_780 = arith.constant 6 : i32
      %shift_right_arithmetic3A_781 = vector.broadcast %shift_right_arithmetic3A_780 : i32 to vector<1024x512xi32>
      %shift_right_arithmetic3A_782 = arith.shrsi %get3A_41, %shift_right_arithmetic3A_781 : vector<1024x512xi32>
      %shift_right_arithmetic3A_783 = arith.constant 6 : i32
      %shift_right_arithmetic3A_784 = vector.broadcast %shift_right_arithmetic3A_783 : i32 to vector<1x512xi32>
      %shift_right_arithmetic3A_785 = arith.shrsi %broadcast_in_dim3A_779, %shift_right_arithmetic3A_784 : vector<1x512xi32>
      %eq3A_786 = vector.broadcast %shift_right_arithmetic3A_785 : vector<1x512xi32> to vector<1024x512xi32>
      %eq3A_787 = arith.cmpi eq, %shift_right_arithmetic3A_782, %eq3A_786 : vector<1024x512xi32>
      %swap3A_788 = arith.constant 26 : index
      %swap3A_789 = arith.constant 0 : index
      %swap3A_790 = vector.load %arg7[%swap3A_788, %swap3A_789] : memref<32x512xf32, #tpu.memory_space<vmem>>, vector<1x512xf32>
      tpu.vector_store %arg7[%swap3A_788, %swap3A_789], %broadcast_in_dim3A_771 {strides = array<i32>} : memref<32x512xf32, #tpu.memory_space<vmem>>, vector<1x512xf32>,
      %swap3A_791 = arith.constant 26 : index
      %swap3A_792 = arith.constant 0 : index
      %swap3A_793 = vector.load %arg8[%swap3A_791, %swap3A_792] : memref<32x512xi32, #tpu.memory_space<vmem>>, vector<1x512xi32>
      tpu.vector_store %arg8[%swap3A_791, %swap3A_792], %broadcast_in_dim3A_779 {strides = array<i32>} : memref<32x512xi32, #tpu.memory_space<vmem>>, vector<1x512xi32>,
      %jit3A_794 = arith.constant 0xFF800000 : f32
      %broadcast_in_dim3A_795 = vector.broadcast %jit3A_794 : f32 to vector<1024x512xf32>
      %select_n3A_796 = arith.select %eq3A_787, %broadcast_in_dim3A_795, %select_n3A_768 : vector<1024x512xi1>, vector<1024x512xf32>
      %reduce_max3A_797 = arith.constant dense<0xFF800000> : vector<512xf32>
      %reduce_max3A_798 = vector.multi_reduction <maximumf>, %select_n3A_796, %reduce_max3A_797 [0] : vector<1024x512xf32> to vector<512xf32>
      %broadcast_in_dim3A_799 = vector.shape_cast %reduce_max3A_798 : vector<512xf32> to vector<1x512xf32>
      %eq3A_800 = vector.broadcast %broadcast_in_dim3A_799 : vector<1x512xf32> to vector<1024x512xf32>
      %eq3A_801 = arith.cmpf oeq, %select_n3A_796, %eq3A_800 : vector<1024x512xf32>
      %jit3A_802 = arith.constant 65536 : i32
      %broadcast_in_dim3A_803 = vector.broadcast %jit3A_802 : i32 to vector<1024x512xi32>
      %select_n3A_804 = arith.select %eq3A_801, %get3A_41, %broadcast_in_dim3A_803 : vector<1024x512xi1>, vector<1024x512xi32>
      %reduce_min3A_805 = arith.constant dense<2147483647> : vector<512xi32>
      %reduce_min3A_806 = vector.multi_reduction <minsi>, %select_n3A_804, %reduce_min3A_805 [0] : vector<1024x512xi32> to vector<512xi32>
      %broadcast_in_dim3A_807 = vector.shape_cast %reduce_min3A_806 : vector<512xi32> to vector<1x512xi32>
      %shift_right_arithmetic3A_808 = arith.constant 6 : i32
      %shift_right_arithmetic3A_809 = vector.broadcast %shift_right_arithmetic3A_808 : i32 to vector<1024x512xi32>
      %shift_right_arithmetic3A_810 = arith.shrsi %get3A_41, %shift_right_arithmetic3A_809 : vector<1024x512xi32>
      %shift_right_arithmetic3A_811 = arith.constant 6 : i32
      %shift_right_arithmetic3A_812 = vector.broadcast %shift_right_arithmetic3A_811 : i32 to vector<1x512xi32>
      %shift_right_arithmetic3A_813 = arith.shrsi %broadcast_in_dim3A_807, %shift_right_arithmetic3A_812 : vector<1x512xi32>
      %eq3A_814 = vector.broadcast %shift_right_arithmetic3A_813 : vector<1x512xi32> to vector<1024x512xi32>
      %eq3A_815 = arith.cmpi eq, %shift_right_arithmetic3A_810, %eq3A_814 : vector<1024x512xi32>
      %swap3A_816 = arith.constant 27 : index
      %swap3A_817 = arith.constant 0 : index
      %swap3A_818 = vector.load %arg7[%swap3A_816, %swap3A_817] : memref<32x512xf32, #tpu.memory_space<vmem>>, vector<1x512xf32>
      tpu.vector_store %arg7[%swap3A_816, %swap3A_817], %broadcast_in_dim3A_799 {strides = array<i32>} : memref<32x512xf32, #tpu.memory_space<vmem>>, vector<1x512xf32>,
      %swap3A_819 = arith.constant 27 : index
      %swap3A_820 = arith.constant 0 : index
      %swap3A_821 = vector.load %arg8[%swap3A_819, %swap3A_820] : memref<32x512xi32, #tpu.memory_space<vmem>>, vector<1x512xi32>
      tpu.vector_store %arg8[%swap3A_819, %swap3A_820], %broadcast_in_dim3A_807 {strides = array<i32>} : memref<32x512xi32, #tpu.memory_space<vmem>>, vector<1x512xi32>,
      %jit3A_822 = arith.constant 0xFF800000 : f32
      %broadcast_in_dim3A_823 = vector.broadcast %jit3A_822 : f32 to vector<1024x512xf32>
      %select_n3A_824 = arith.select %eq3A_815, %broadcast_in_dim3A_823, %select_n3A_796 : vector<1024x512xi1>, vector<1024x512xf32>
      %reduce_max3A_825 = arith.constant dense<0xFF800000> : vector<512xf32>
      %reduce_max3A_826 = vector.multi_reduction <maximumf>, %select_n3A_824, %reduce_max3A_825 [0] : vector<1024x512xf32> to vector<512xf32>
      %broadcast_in_dim3A_827 = vector.shape_cast %reduce_max3A_826 : vector<512xf32> to vector<1x512xf32>
      %eq3A_828 = vector.broadcast %broadcast_in_dim3A_827 : vector<1x512xf32> to vector<1024x512xf32>
      %eq3A_829 = arith.cmpf oeq, %select_n3A_824, %eq3A_828 : vector<1024x512xf32>
      %jit3A_830 = arith.constant 65536 : i32
      %broadcast_in_dim3A_831 = vector.broadcast %jit3A_830 : i32 to vector<1024x512xi32>
      %select_n3A_832 = arith.select %eq3A_829, %get3A_41, %broadcast_in_dim3A_831 : vector<1024x512xi1>, vector<1024x512xi32>
      %reduce_min3A_833 = arith.constant dense<2147483647> : vector<512xi32>
      %reduce_min3A_834 = vector.multi_reduction <minsi>, %select_n3A_832, %reduce_min3A_833 [0] : vector<1024x512xi32> to vector<512xi32>
      %broadcast_in_dim3A_835 = vector.shape_cast %reduce_min3A_834 : vector<512xi32> to vector<1x512xi32>
      %shift_right_arithmetic3A_836 = arith.constant 6 : i32
      %shift_right_arithmetic3A_837 = vector.broadcast %shift_right_arithmetic3A_836 : i32 to vector<1024x512xi32>
      %shift_right_arithmetic3A_838 = arith.shrsi %get3A_41, %shift_right_arithmetic3A_837 : vector<1024x512xi32>
      %shift_right_arithmetic3A_839 = arith.constant 6 : i32
      %shift_right_arithmetic3A_840 = vector.broadcast %shift_right_arithmetic3A_839 : i32 to vector<1x512xi32>
      %shift_right_arithmetic3A_841 = arith.shrsi %broadcast_in_dim3A_835, %shift_right_arithmetic3A_840 : vector<1x512xi32>
      %eq3A_842 = vector.broadcast %shift_right_arithmetic3A_841 : vector<1x512xi32> to vector<1024x512xi32>
      %eq3A_843 = arith.cmpi eq, %shift_right_arithmetic3A_838, %eq3A_842 : vector<1024x512xi32>
      %swap3A_844 = arith.constant 28 : index
      %swap3A_845 = arith.constant 0 : index
      %swap3A_846 = vector.load %arg7[%swap3A_844, %swap3A_845] : memref<32x512xf32, #tpu.memory_space<vmem>>, vector<1x512xf32>
      tpu.vector_store %arg7[%swap3A_844, %swap3A_845], %broadcast_in_dim3A_827 {strides = array<i32>} : memref<32x512xf32, #tpu.memory_space<vmem>>, vector<1x512xf32>,
      %swap3A_847 = arith.constant 28 : index
      %swap3A_848 = arith.constant 0 : index
      %swap3A_849 = vector.load %arg8[%swap3A_847, %swap3A_848] : memref<32x512xi32, #tpu.memory_space<vmem>>, vector<1x512xi32>
      tpu.vector_store %arg8[%swap3A_847, %swap3A_848], %broadcast_in_dim3A_835 {strides = array<i32>} : memref<32x512xi32, #tpu.memory_space<vmem>>, vector<1x512xi32>,
      %jit3A_850 = arith.constant 0xFF800000 : f32
      %broadcast_in_dim3A_851 = vector.broadcast %jit3A_850 : f32 to vector<1024x512xf32>
      %select_n3A_852 = arith.select %eq3A_843, %broadcast_in_dim3A_851, %select_n3A_824 : vector<1024x512xi1>, vector<1024x512xf32>
      %reduce_max3A_853 = arith.constant dense<0xFF800000> : vector<512xf32>
      %reduce_max3A_854 = vector.multi_reduction <maximumf>, %select_n3A_852, %reduce_max3A_853 [0] : vector<1024x512xf32> to vector<512xf32>
      %broadcast_in_dim3A_855 = vector.shape_cast %reduce_max3A_854 : vector<512xf32> to vector<1x512xf32>
      %eq3A_856 = vector.broadcast %broadcast_in_dim3A_855 : vector<1x512xf32> to vector<1024x512xf32>
      %eq3A_857 = arith.cmpf oeq, %select_n3A_852, %eq3A_856 : vector<1024x512xf32>
      %jit3A_858 = arith.constant 65536 : i32
      %broadcast_in_dim3A_859 = vector.broadcast %jit3A_858 : i32 to vector<1024x512xi32>
      %select_n3A_860 = arith.select %eq3A_857, %get3A_41, %broadcast_in_dim3A_859 : vector<1024x512xi1>, vector<1024x512xi32>
      %reduce_min3A_861 = arith.constant dense<2147483647> : vector<512xi32>
      %reduce_min3A_862 = vector.multi_reduction <minsi>, %select_n3A_860, %reduce_min3A_861 [0] : vector<1024x512xi32> to vector<512xi32>
      %broadcast_in_dim3A_863 = vector.shape_cast %reduce_min3A_862 : vector<512xi32> to vector<1x512xi32>
      %shift_right_arithmetic3A_864 = arith.constant 6 : i32
      %shift_right_arithmetic3A_865 = vector.broadcast %shift_right_arithmetic3A_864 : i32 to vector<1024x512xi32>
      %shift_right_arithmetic3A_866 = arith.shrsi %get3A_41, %shift_right_arithmetic3A_865 : vector<1024x512xi32>
      %shift_right_arithmetic3A_867 = arith.constant 6 : i32
      %shift_right_arithmetic3A_868 = vector.broadcast %shift_right_arithmetic3A_867 : i32 to vector<1x512xi32>
      %shift_right_arithmetic3A_869 = arith.shrsi %broadcast_in_dim3A_863, %shift_right_arithmetic3A_868 : vector<1x512xi32>
      %eq3A_870 = vector.broadcast %shift_right_arithmetic3A_869 : vector<1x512xi32> to vector<1024x512xi32>
      %eq3A_871 = arith.cmpi eq, %shift_right_arithmetic3A_866, %eq3A_870 : vector<1024x512xi32>
      %swap3A_872 = arith.constant 29 : index
      %swap3A_873 = arith.constant 0 : index
      %swap3A_874 = vector.load %arg7[%swap3A_872, %swap3A_873] : memref<32x512xf32, #tpu.memory_space<vmem>>, vector<1x512xf32>
      tpu.vector_store %arg7[%swap3A_872, %swap3A_873], %broadcast_in_dim3A_855 {strides = array<i32>} : memref<32x512xf32, #tpu.memory_space<vmem>>, vector<1x512xf32>,
      %swap3A_875 = arith.constant 29 : index
      %swap3A_876 = arith.constant 0 : index
      %swap3A_877 = vector.load %arg8[%swap3A_875, %swap3A_876] : memref<32x512xi32, #tpu.memory_space<vmem>>, vector<1x512xi32>
      tpu.vector_store %arg8[%swap3A_875, %swap3A_876], %broadcast_in_dim3A_863 {strides = array<i32>} : memref<32x512xi32, #tpu.memory_space<vmem>>, vector<1x512xi32>,
      %jit3A_878 = arith.constant 0xFF800000 : f32
      %broadcast_in_dim3A_879 = vector.broadcast %jit3A_878 : f32 to vector<1024x512xf32>
      %select_n3A_880 = arith.select %eq3A_871, %broadcast_in_dim3A_879, %select_n3A_852 : vector<1024x512xi1>, vector<1024x512xf32>
      %reduce_max3A_881 = arith.constant dense<0xFF800000> : vector<512xf32>
      %reduce_max3A_882 = vector.multi_reduction <maximumf>, %select_n3A_880, %reduce_max3A_881 [0] : vector<1024x512xf32> to vector<512xf32>
      %broadcast_in_dim3A_883 = vector.shape_cast %reduce_max3A_882 : vector<512xf32> to vector<1x512xf32>
      %eq3A_884 = vector.broadcast %broadcast_in_dim3A_883 : vector<1x512xf32> to vector<1024x512xf32>
      %eq3A_885 = arith.cmpf oeq, %select_n3A_880, %eq3A_884 : vector<1024x512xf32>
      %jit3A_886 = arith.constant 65536 : i32
      %broadcast_in_dim3A_887 = vector.broadcast %jit3A_886 : i32 to vector<1024x512xi32>
      %select_n3A_888 = arith.select %eq3A_885, %get3A_41, %broadcast_in_dim3A_887 : vector<1024x512xi1>, vector<1024x512xi32>
      %reduce_min3A_889 = arith.constant dense<2147483647> : vector<512xi32>
      %reduce_min3A_890 = vector.multi_reduction <minsi>, %select_n3A_888, %reduce_min3A_889 [0] : vector<1024x512xi32> to vector<512xi32>
      %broadcast_in_dim3A_891 = vector.shape_cast %reduce_min3A_890 : vector<512xi32> to vector<1x512xi32>
      %shift_right_arithmetic3A_892 = arith.constant 6 : i32
      %shift_right_arithmetic3A_893 = vector.broadcast %shift_right_arithmetic3A_892 : i32 to vector<1024x512xi32>
      %shift_right_arithmetic3A_894 = arith.shrsi %get3A_41, %shift_right_arithmetic3A_893 : vector<1024x512xi32>
      %shift_right_arithmetic3A_895 = arith.constant 6 : i32
      %shift_right_arithmetic3A_896 = vector.broadcast %shift_right_arithmetic3A_895 : i32 to vector<1x512xi32>
      %shift_right_arithmetic3A_897 = arith.shrsi %broadcast_in_dim3A_891, %shift_right_arithmetic3A_896 : vector<1x512xi32>
      %eq3A_898 = vector.broadcast %shift_right_arithmetic3A_897 : vector<1x512xi32> to vector<1024x512xi32>
      %eq3A_899 = arith.cmpi eq, %shift_right_arithmetic3A_894, %eq3A_898 : vector<1024x512xi32>
      %swap3A_900 = arith.constant 30 : index
      %swap3A_901 = arith.constant 0 : index
      %swap3A_902 = vector.load %arg7[%swap3A_900, %swap3A_901] : memref<32x512xf32, #tpu.memory_space<vmem>>, vector<1x512xf32>
      tpu.vector_store %arg7[%swap3A_900, %swap3A_901], %broadcast_in_dim3A_883 {strides = array<i32>} : memref<32x512xf32, #tpu.memory_space<vmem>>, vector<1x512xf32>,
      %swap3A_903 = arith.constant 30 : index
      %swap3A_904 = arith.constant 0 : index
      %swap3A_905 = vector.load %arg8[%swap3A_903, %swap3A_904] : memref<32x512xi32, #tpu.memory_space<vmem>>, vector<1x512xi32>
      tpu.vector_store %arg8[%swap3A_903, %swap3A_904], %broadcast_in_dim3A_891 {strides = array<i32>} : memref<32x512xi32, #tpu.memory_space<vmem>>, vector<1x512xi32>,
      %jit3A_906 = arith.constant 0xFF800000 : f32
      %broadcast_in_dim3A_907 = vector.broadcast %jit3A_906 : f32 to vector<1024x512xf32>
      %select_n3A_908 = arith.select %eq3A_899, %broadcast_in_dim3A_907, %select_n3A_880 : vector<1024x512xi1>, vector<1024x512xf32>
      %reduce_max3A_909 = arith.constant dense<0xFF800000> : vector<512xf32>
      %reduce_max3A_910 = vector.multi_reduction <maximumf>, %select_n3A_908, %reduce_max3A_909 [0] : vector<1024x512xf32> to vector<512xf32>
      %broadcast_in_dim3A_911 = vector.shape_cast %reduce_max3A_910 : vector<512xf32> to vector<1x512xf32>
      %eq3A_912 = vector.broadcast %broadcast_in_dim3A_911 : vector<1x512xf32> to vector<1024x512xf32>
      %eq3A_913 = arith.cmpf oeq, %select_n3A_908, %eq3A_912 : vector<1024x512xf32>
      %jit3A_914 = arith.constant 65536 : i32
      %broadcast_in_dim3A_915 = vector.broadcast %jit3A_914 : i32 to vector<1024x512xi32>
      %select_n3A_916 = arith.select %eq3A_913, %get3A_41, %broadcast_in_dim3A_915 : vector<1024x512xi1>, vector<1024x512xi32>
      %reduce_min3A_917 = arith.constant dense<2147483647> : vector<512xi32>
      %reduce_min3A_918 = vector.multi_reduction <minsi>, %select_n3A_916, %reduce_min3A_917 [0] : vector<1024x512xi32> to vector<512xi32>
      %broadcast_in_dim3A_919 = vector.shape_cast %reduce_min3A_918 : vector<512xi32> to vector<1x512xi32>
      %swap3A_920 = arith.constant 31 : index
      %swap3A_921 = arith.constant 0 : index
      %swap3A_922 = vector.load %arg7[%swap3A_920, %swap3A_921] : memref<32x512xf32, #tpu.memory_space<vmem>>, vector<1x512xf32>
      tpu.vector_store %arg7[%swap3A_920, %swap3A_921], %broadcast_in_dim3A_911 {strides = array<i32>} : memref<32x512xf32, #tpu.memory_space<vmem>>, vector<1x512xf32>,
      %swap3A_923 = arith.constant 31 : index
      %swap3A_924 = arith.constant 0 : index
      %swap3A_925 = vector.load %arg8[%swap3A_923, %swap3A_924] : memref<32x512xi32, #tpu.memory_space<vmem>>, vector<1x512xi32>
      tpu.vector_store %arg8[%swap3A_923, %swap3A_924], %broadcast_in_dim3A_919 {strides = array<i32>} : memref<32x512xi32, #tpu.memory_space<vmem>>, vector<1x512xi32>,
      %concatenate3A = tpu.concatenate %broadcast_in_dim3A_44, %broadcast_in_dim3A_71, %broadcast_in_dim3A_99, %broadcast_in_dim3A_127, %broadcast_in_dim3A_155, %broadcast_in_dim3A_183, %broadcast_in_dim3A_211, %broadcast_in_dim3A_239, %broadcast_in_dim3A_267, %broadcast_in_dim3A_295, %broadcast_in_dim3A_323, %broadcast_in_dim3A_351, %broadcast_in_dim3A_379, %broadcast_in_dim3A_407, %broadcast_in_dim3A_435, %broadcast_in_dim3A_463, %broadcast_in_dim3A_491, %broadcast_in_dim3A_519, %broadcast_in_dim3A_547, %broadcast_in_dim3A_575, %broadcast_in_dim3A_603, %broadcast_in_dim3A_631, %broadcast_in_dim3A_659, %broadcast_in_dim3A_687, %broadcast_in_dim3A_715, %broadcast_in_dim3A_743, %broadcast_in_dim3A_771, %broadcast_in_dim3A_799, %broadcast_in_dim3A_827, %broadcast_in_dim3A_855, %broadcast_in_dim3A_883, %broadcast_in_dim3A_911 in 0 : vector<1x512xf32>, vector<1x512xf32>, vector<1x512xf32>, vector<1x512xf32>, vector<1x512xf32>, vector<1x512xf32>, vector<1x512xf32>, vector<1x512xf32>, vector<1x512xf32>, vector<1x512xf32>, vector<1x512xf32>, vector<1x512xf32>, vector<1x512xf32>, vector<1x512xf32>, vector<1x512xf32>, vector<1x512xf32>, vector<1x512xf32>, vector<1x512xf32>, vector<1x512xf32>, vector<1x512xf32>, vector<1x512xf32>, vector<1x512xf32>, vector<1x512xf32>, vector<1x512xf32>, vector<1x512xf32>, vector<1x512xf32>, vector<1x512xf32>, vector<1x512xf32>, vector<1x512xf32>, vector<1x512xf32>, vector<1x512xf32>, vector<1x512xf32> -> vector<32x512xf32>
      %slice3A = vector.extract_strided_slice %concatenate3A {offsets = [0, 0], sizes = [1, 512], strides = [1, 1]} : vector<32x512xf32> to vector<1x512xf32>
      %sub3A = vector.broadcast %slice3A : vector<1x512xf32> to vector<32x512xf32>
      %sub3A_926 = arith.subf %concatenate3A, %sub3A : vector<32x512xf32>
      %exp3A = math.exp %sub3A_926 : vector<32x512xf32>
      %reduce_sum3A = arith.constant dense<0.000000e+00> : vector<512xf32>
      %reduce_sum3A_927 = vector.multi_reduction <add>, %exp3A, %reduce_sum3A [0] : vector<32x512xf32> to vector<512xf32>
      %broadcast_in_dim3A_928 = vector.shape_cast %reduce_sum3A_927 : vector<512xf32> to vector<1x512xf32>
      %div3A = vector.broadcast %broadcast_in_dim3A_928 : vector<1x512xf32> to vector<32x512xf32>
      %div3A_929 = arith.divf %exp3A, %div3A : vector<32x512xf32>
      %swap3A_930 = arith.constant 0 : index
      %swap3A_931 = arith.constant 0 : index
      %swap3A_932 = vector.load %arg9[%swap3A_930, %swap3A_931] : memref<32x512xf32, #tpu.memory_space<vmem>>, vector<32x512xf32>
      tpu.vector_store %arg9[%swap3A_930, %swap3A_931], %div3A_929 {strides = array<i32>} : memref<32x512xf32, #tpu.memory_space<vmem>>, vector<32x512xf32>,
    } else {
    }
    return
  }
  func.func @transform_0(%arg0: i32) -> (i32, i32) {
    %c0_i32 = arith.constant 0 : i32
    %c0_i32_0 = arith.constant 0 : i32
    %c0_i32_1 = arith.constant 0 : i32
    return %c0_i32, %c0_i32_0 : i32, i32
  }
  func.func @transform_1(%arg0: i32) -> (i32, i32) {
    %c0_i32 = arith.constant 0 : i32
    %c0_i32_0 = arith.constant 0 : i32
    %c0_i32_1 = arith.constant 0 : i32
    return %c0_i32, %c0_i32_0 : i32, i32
  }
  func.func @transform_2(%arg0: i32) -> (i32, i32) {
    %c0_i32 = arith.constant 0 : i32
    %c0_i32_0 = arith.constant 0 : i32
    %c0_i32_1 = arith.constant 0 : i32
    return %c0_i32, %c0_i32_0 : i32, i32
  }
  func.func @transform_3(%arg0: i32) -> (i32, i32) {
    %c0_i32 = arith.constant 0 : i32
    %c0_i32_0 = arith.constant 0 : i32
    %c0_i32_1 = arith.constant 0 : i32
    return %c0_i32, %c0_i32_0 : i32, i32
  }
  func.func @transform_4(%arg0: i32) -> (i32, i32) {
    %c0_i32 = arith.constant 0 : i32
    %c0_i32_0 = arith.constant 0 : i32
    return %arg0, %c0_i32 : i32, i32
  }
  func.func @transform_5(%arg0: i32) -> (i32, i32) {
    %c0_i32 = arith.constant 0 : i32
    %c0_i32_0 = arith.constant 0 : i32
    %c0_i32_1 = arith.constant 0 : i32
    return %c0_i32, %c0_i32_0 : i32, i32
  }
  func.func @transform_6(%arg0: i32) -> (i32, i32) {
    %c0_i32 = arith.constant 0 : i32
    %c0_i32_0 = arith.constant 0 : i32
    %c0_i32_1 = arith.constant 0 : i32
    return %c0_i32, %c0_i32_0 : i32, i32
  }
  func.func @transform_7(%arg0: i32) -> (i32, i32) {
    %c0_i32 = arith.constant 0 : i32
    %c0_i32_0 = arith.constant 0 : i32
    %c0_i32_1 = arith.constant 0 : i32
    return %c0_i32, %c0_i32_0 : i32, i32
  }
  func.func @transform_8(%arg0: i32) -> (i32, i32) {
    %c0_i32 = arith.constant 0 : i32
    %c0_i32_0 = arith.constant 0 : i32
    %c0_i32_1 = arith.constant 0 : i32
    return %c0_i32, %c0_i32_0 : i32, i32
  }
}

module attributes {stable_mosaic.version = 14 : i64} {
  func.func @_e_body(%arg0: i32, %arg1: memref<512x32xf32, #tpu.memory_space<vmem>>, %arg2: memref<16384x128xf32, #tpu.memory_space<vmem>>, %arg3: memref<128x768xf32, #tpu.memory_space<vmem>>, %arg4: memref<1x768xf32, #tpu.memory_space<vmem>>, %arg5: memref<512x1xf32, #tpu.memory_space<vmem>>, %arg6: memref<1024x768xf32, #tpu.memory_space<vmem>>, %arg7: memref<1x512xi32, #tpu.memory_space<vmem>>, %arg8: memref<1x512xi32, #tpu.memory_space<vmem>>, %arg9: memref<1x512xi32, #tpu.memory_space<vmem>>, %arg10: memref<1x768xf32, #tpu.memory_space<vmem>>, %arg11: memref<1x768xf32, #tpu.memory_space<vmem>>, %arg12: memref<1024x768xf32, #tpu.memory_space<vmem>>, %arg13: memref<512x768xbf16, #tpu.memory_space<vmem>>) attributes {dimension_semantics = [#tpu.dimension_semantics<arbitrary>], iteration_bounds = array<i64: 8>, scalar_prefetch = 0 : i64, scratch_operands = 1 : i64, tpu.core_type = #tpu.core_type<tc>, window_params = [{pipeline_mode = #tpu.pipeline_mode<synchronous>, transform_indices = @transform_0, window_bounds = array<i64: 512, 32>}, {pipeline_mode = #tpu.pipeline_mode<synchronous>, transform_indices = @transform_1, window_bounds = array<i64: 16384, 128>}, {pipeline_mode = #tpu.pipeline_mode<synchronous>, transform_indices = @transform_2, window_bounds = array<i64: 128, 768>}, {pipeline_mode = #tpu.pipeline_mode<synchronous>, transform_indices = @transform_3, window_bounds = array<i64: 1, 768>}, {pipeline_mode = #tpu.pipeline_mode<synchronous>, transform_indices = @transform_4, window_bounds = array<i64: 512, 1>}, {transform_indices = @transform_5, window_bounds = array<i64: 1024, 768>}, {pipeline_mode = #tpu.pipeline_mode<synchronous>, transform_indices = @transform_6, window_bounds = array<i64: 1, 512>}, {pipeline_mode = #tpu.pipeline_mode<synchronous>, transform_indices = @transform_7, window_bounds = array<i64: 1, 512>}, {pipeline_mode = #tpu.pipeline_mode<synchronous>, transform_indices = @transform_8, window_bounds = array<i64: 1, 512>}, {pipeline_mode = #tpu.pipeline_mode<synchronous>, transform_indices = @transform_9, window_bounds = array<i64: 1, 768>}, {pipeline_mode = #tpu.pipeline_mode<synchronous>, transform_indices = @transform_10, window_bounds = array<i64: 1, 768>}, {transform_indices = @transform_11, window_bounds = array<i64: 1024, 768>}]} {
    %eq3A = arith.constant 0 : i32
    %eq3A_0 = arith.cmpi eq, %arg0, %eq3A : i32
    %convert_element_type3A = arith.extui %eq3A_0 : i1 to i32
    %cond3A = arith.constant 0 : i32
    %cond3A_1 = arith.cmpi ne, %convert_element_type3A, %cond3A : i32
    scf.if %cond3A_1 {
      %get3A_71 = arith.constant 0 : index
      %get3A_72 = arith.constant 0 : index
      %get3A_73 = vector.load %arg2[%get3A_71, %get3A_72] : memref<16384x128xf32, #tpu.memory_space<vmem>>, vector<16384x128xf32>
      %reshape3A = vector.shape_cast %get3A_73 : vector<16384x128xf32> to vector<512x32x128xf32>
      %get3A_74 = arith.constant 0 : index
      %get3A_75 = arith.constant 0 : index
      %get3A_76 = vector.load %arg1[%get3A_74, %get3A_75] : memref<512x32xf32, #tpu.memory_space<vmem>>, vector<512x32xf32>
      %broadcast_in_dim3A_77 = vector.shape_cast %get3A_76 : vector<512x32xf32> to vector<512x32x1xf32>
      %mul3A_78 = vector.broadcast %broadcast_in_dim3A_77 : vector<512x32x1xf32> to vector<512x32x128xf32>
      %mul3A_79 = arith.mulf %reshape3A, %mul3A_78 : vector<512x32x128xf32>
      %reduce_sum3A_80 = arith.constant dense<0.000000e+00> : vector<512x128xf32>
      %reduce_sum3A_81 = vector.multi_reduction <add>, %mul3A_79, %reduce_sum3A_80 [1] : vector<512x32x128xf32> to vector<512x128xf32>
      %convert_element_type3A_82 = arith.truncf %reduce_sum3A_81 : vector<512x128xf32> to vector<512x128xbf16>
      %get3A_83 = arith.constant 0 : index
      %get3A_84 = arith.constant 0 : index
      %get3A_85 = vector.load %arg3[%get3A_83, %get3A_84] : memref<128x768xf32, #tpu.memory_space<vmem>>, vector<128x768xf32>
      %convert_element_type3A_86 = arith.truncf %get3A_85 : vector<128x768xf32> to vector<128x768xbf16>
      %dot_general3A_87 = arith.constant dense<0.000000e+00> : vector<512x768xf32>
      %dot_general3A_88 = tpu.matmul %convert_element_type3A_82, %convert_element_type3A_86, %dot_general3A_87 {dimension_numbers = #tpu.dot_dimension_numbers<[1], [0], [0], [1], [0, 0, 1, 1], [], []>, transpose_lhs_hint = false} : vector<512x128xbf16>, vector<128x768xbf16>, vector<512x768xf32> -> vector<512x768xf32>
      %get3A_89 = arith.constant 0 : index
      %get3A_90 = arith.constant 0 : index
      %get3A_91 = vector.load %arg4[%get3A_89, %get3A_90] : memref<1x768xf32, #tpu.memory_space<vmem>>, vector<1x768xf32>
      %add3A_92 = vector.broadcast %get3A_91 : vector<1x768xf32> to vector<512x768xf32>
      %add3A_93 = arith.addf %dot_general3A_88, %add3A_92 : vector<512x768xf32>
      %get3A_94 = arith.constant 0 : index
      %get3A_95 = arith.constant 0 : index
      %get3A_96 = vector.load %arg5[%get3A_94, %get3A_95] : memref<512x1xf32, #tpu.memory_space<vmem>>, vector<512x1xf32>
      %mul3A_97 = vector.broadcast %get3A_96 : vector<512x1xf32> to vector<512x768xf32>
      %mul3A_98 = arith.mulf %add3A_93, %mul3A_97 : vector<512x768xf32>
      %convert_element_type3A_99 = arith.truncf %mul3A_98 : vector<512x768xf32> to vector<512x768xbf16>
      %swap3A_100 = arith.constant 0 : index
      %swap3A_101 = arith.constant 0 : index
      %swap3A_102 = vector.load %arg13[%swap3A_100, %swap3A_101] : memref<512x768xbf16, #tpu.memory_space<vmem>>, vector<512x768xbf16>
      tpu.vector_store %arg13[%swap3A_100, %swap3A_101], %convert_element_type3A_99 {strides = array<i32>} : memref<512x768xbf16, #tpu.memory_space<vmem>>, vector<512x768xbf16>,
    } else {
    }
    %mul3A = arith.constant 1024 : i32
    %mul3A_2 = arith.muli %arg0, %mul3A : i32
    %iota3A = tpu.iota {dimensions = array<i32: 0>} : vector<1024x1xi32>
    %add3A = vector.broadcast %mul3A_2 : i32 to vector<1024x1xi32>
    %add3A_3 = arith.addi %add3A, %iota3A : vector<1024x1xi32>
    %get3A = arith.constant 0 : index
    %get3A_4 = arith.constant 0 : index
    %get3A_5 = vector.load %arg7[%get3A, %get3A_4] : memref<1x512xi32, #tpu.memory_space<vmem>>, vector<1x512xi32>
    %mul3A_6 = arith.constant 2048 : i32
    %mul3A_7 = vector.broadcast %mul3A_6 : i32 to vector<1x512xi32>
    %mul3A_8 = arith.muli %get3A_5, %mul3A_7 : vector<1x512xi32>
    %get3A_9 = arith.constant 0 : index
    %get3A_10 = arith.constant 0 : index
    %get3A_11 = vector.load %arg8[%get3A_9, %get3A_10] : memref<1x512xi32, #tpu.memory_space<vmem>>, vector<1x512xi32>
    %add3A_12 = arith.addi %mul3A_8, %get3A_11 : vector<1x512xi32>
    %get3A_13 = arith.constant 0 : index
    %get3A_14 = arith.constant 0 : index
    %get3A_15 = vector.load %arg7[%get3A_13, %get3A_14] : memref<1x512xi32, #tpu.memory_space<vmem>>, vector<1x512xi32>
    %mul3A_16 = arith.constant 2048 : i32
    %mul3A_17 = vector.broadcast %mul3A_16 : i32 to vector<1x512xi32>
    %mul3A_18 = arith.muli %get3A_15, %mul3A_17 : vector<1x512xi32>
    %get3A_19 = arith.constant 0 : index
    %get3A_20 = arith.constant 0 : index
    %get3A_21 = vector.load %arg9[%get3A_19, %get3A_20] : memref<1x512xi32, #tpu.memory_space<vmem>>, vector<1x512xi32>
    %add3A_22 = arith.addi %mul3A_18, %get3A_21 : vector<1x512xi32>
    %eq3A_23 = vector.broadcast %add3A_3 : vector<1024x1xi32> to vector<1024x512xi32>
    %eq3A_24 = vector.broadcast %add3A_12 : vector<1x512xi32> to vector<1024x512xi32>
    %eq3A_25 = arith.cmpi eq, %eq3A_23, %eq3A_24 : vector<1024x512xi32>
    %convert_element_type3A_26 = arith.extui %eq3A_25 : vector<1024x512xi1> to vector<1024x512xi32>
    %convert_element_type3A_27 = arith.sitofp %convert_element_type3A_26 : vector<1024x512xi32> to vector<1024x512xf32>
    %eq3A_28 = vector.broadcast %add3A_3 : vector<1024x1xi32> to vector<1024x512xi32>
    %eq3A_29 = vector.broadcast %add3A_22 : vector<1x512xi32> to vector<1024x512xi32>
    %eq3A_30 = arith.cmpi eq, %eq3A_28, %eq3A_29 : vector<1024x512xi32>
    %convert_element_type3A_31 = arith.extui %eq3A_30 : vector<1024x512xi1> to vector<1024x512xi32>
    %convert_element_type3A_32 = arith.sitofp %convert_element_type3A_31 : vector<1024x512xi32> to vector<1024x512xf32>
    %add3A_33 = arith.addf %convert_element_type3A_27, %convert_element_type3A_32 : vector<1024x512xf32>
    %convert_element_type3A_34 = arith.truncf %add3A_33 : vector<1024x512xf32> to vector<1024x512xbf16>
    %get3A_35 = arith.constant 0 : index
    %get3A_36 = arith.constant 0 : index
    %get3A_37 = vector.load %arg13[%get3A_35, %get3A_36] : memref<512x768xbf16, #tpu.memory_space<vmem>>, vector<512x768xbf16>
    %dot_general3A = arith.constant dense<0.000000e+00> : vector<1024x768xf32>
    %dot_general3A_38 = tpu.matmul %convert_element_type3A_34, %get3A_37, %dot_general3A {dimension_numbers = #tpu.dot_dimension_numbers<[1], [0], [0], [1], [0, 0, 1, 1], [], []>, transpose_lhs_hint = false} : vector<1024x512xbf16>, vector<512x768xbf16>, vector<1024x768xf32> -> vector<1024x768xf32>
    %get3A_39 = arith.constant 0 : index
    %get3A_40 = arith.constant 0 : index
    %get3A_41 = vector.load %arg6[%get3A_39, %get3A_40] : memref<1024x768xf32, #tpu.memory_space<vmem>>, vector<1024x768xf32>
    %add3A_42 = arith.addf %get3A_41, %dot_general3A_38 : vector<1024x768xf32>
    %reduce_sum3A = arith.constant dense<0.000000e+00> : vector<1024xf32>
    %reduce_sum3A_43 = vector.multi_reduction <add>, %add3A_42, %reduce_sum3A [1] : vector<1024x768xf32> to vector<1024xf32>
    %broadcast_in_dim3A = vector.shape_cast %reduce_sum3A_43 : vector<1024xf32> to vector<1024x1xf32>
    %div3A = arith.constant 7.680000e+02 : f32
    %div3A_44 = vector.broadcast %div3A : f32 to vector<1024x1xf32>
    %div3A_45 = arith.divf %broadcast_in_dim3A, %div3A_44 : vector<1024x1xf32>
    %sub3A = vector.broadcast %div3A_45 : vector<1024x1xf32> to vector<1024x768xf32>
    %sub3A_46 = arith.subf %add3A_42, %sub3A : vector<1024x768xf32>
    %mul3A_47 = arith.mulf %sub3A_46, %sub3A_46 : vector<1024x768xf32>
    %reduce_sum3A_48 = arith.constant dense<0.000000e+00> : vector<1024xf32>
    %reduce_sum3A_49 = vector.multi_reduction <add>, %mul3A_47, %reduce_sum3A_48 [1] : vector<1024x768xf32> to vector<1024xf32>
    %broadcast_in_dim3A_50 = vector.shape_cast %reduce_sum3A_49 : vector<1024xf32> to vector<1024x1xf32>
    %div3A_51 = arith.constant 7.680000e+02 : f32
    %div3A_52 = vector.broadcast %div3A_51 : f32 to vector<1024x1xf32>
    %div3A_53 = arith.divf %broadcast_in_dim3A_50, %div3A_52 : vector<1024x1xf32>
    %add3A_54 = arith.constant 9.99999996E-13 : f32
    %add3A_55 = vector.broadcast %add3A_54 : f32 to vector<1024x1xf32>
    %add3A_56 = arith.addf %div3A_53, %add3A_55 : vector<1024x1xf32>
    %rsqrt3A = math.rsqrt %add3A_56 : vector<1024x1xf32>
    %mul3A_57 = vector.broadcast %rsqrt3A : vector<1024x1xf32> to vector<1024x768xf32>
    %mul3A_58 = arith.mulf %sub3A_46, %mul3A_57 : vector<1024x768xf32>
    %get3A_59 = arith.constant 0 : index
    %get3A_60 = arith.constant 0 : index
    %get3A_61 = vector.load %arg10[%get3A_59, %get3A_60] : memref<1x768xf32, #tpu.memory_space<vmem>>, vector<1x768xf32>
    %mul3A_62 = vector.broadcast %get3A_61 : vector<1x768xf32> to vector<1024x768xf32>
    %mul3A_63 = arith.mulf %mul3A_58, %mul3A_62 : vector<1024x768xf32>
    %get3A_64 = arith.constant 0 : index
    %get3A_65 = arith.constant 0 : index
    %get3A_66 = vector.load %arg11[%get3A_64, %get3A_65] : memref<1x768xf32, #tpu.memory_space<vmem>>, vector<1x768xf32>
    %add3A_67 = vector.broadcast %get3A_66 : vector<1x768xf32> to vector<1024x768xf32>
    %add3A_68 = arith.addf %mul3A_63, %add3A_67 : vector<1024x768xf32>
    %swap3A = arith.constant 0 : index
    %swap3A_69 = arith.constant 0 : index
    %swap3A_70 = vector.load %arg12[%swap3A, %swap3A_69] : memref<1024x768xf32, #tpu.memory_space<vmem>>, vector<1024x768xf32>
    tpu.vector_store %arg12[%swap3A, %swap3A_69], %add3A_68 {strides = array<i32>} : memref<1024x768xf32, #tpu.memory_space<vmem>>, vector<1024x768xf32>,
    return
  }
  func.func @transform_0(%arg0: i32) -> (i32, i32) {
    %c0_i32 = arith.constant 0 : i32
    %c0_i32_0 = arith.constant 0 : i32
    %c0_i32_1 = arith.constant 0 : i32
    return %c0_i32, %c0_i32_0 : i32, i32
  }
  func.func @transform_1(%arg0: i32) -> (i32, i32) {
    %c0_i32 = arith.constant 0 : i32
    %c0_i32_0 = arith.constant 0 : i32
    %c0_i32_1 = arith.constant 0 : i32
    return %c0_i32, %c0_i32_0 : i32, i32
  }
  func.func @transform_2(%arg0: i32) -> (i32, i32) {
    %c0_i32 = arith.constant 0 : i32
    %c0_i32_0 = arith.constant 0 : i32
    %c0_i32_1 = arith.constant 0 : i32
    return %c0_i32, %c0_i32_0 : i32, i32
  }
  func.func @transform_3(%arg0: i32) -> (i32, i32) {
    %c0_i32 = arith.constant 0 : i32
    %c0_i32_0 = arith.constant 0 : i32
    %c0_i32_1 = arith.constant 0 : i32
    return %c0_i32, %c0_i32_0 : i32, i32
  }
  func.func @transform_4(%arg0: i32) -> (i32, i32) {
    %c0_i32 = arith.constant 0 : i32
    %c0_i32_0 = arith.constant 0 : i32
    %c0_i32_1 = arith.constant 0 : i32
    return %c0_i32, %c0_i32_0 : i32, i32
  }
  func.func @transform_5(%arg0: i32) -> (i32, i32) {
    %c0_i32 = arith.constant 0 : i32
    %c0_i32_0 = arith.constant 0 : i32
    return %arg0, %c0_i32 : i32, i32
  }
  func.func @transform_6(%arg0: i32) -> (i32, i32) {
    %c0_i32 = arith.constant 0 : i32
    %c0_i32_0 = arith.constant 0 : i32
    %c0_i32_1 = arith.constant 0 : i32
    return %c0_i32, %c0_i32_0 : i32, i32
  }
  func.func @transform_7(%arg0: i32) -> (i32, i32) {
    %c0_i32 = arith.constant 0 : i32
    %c0_i32_0 = arith.constant 0 : i32
    %c0_i32_1 = arith.constant 0 : i32
    return %c0_i32, %c0_i32_0 : i32, i32
  }
  func.func @transform_8(%arg0: i32) -> (i32, i32) {
    %c0_i32 = arith.constant 0 : i32
    %c0_i32_0 = arith.constant 0 : i32
    %c0_i32_1 = arith.constant 0 : i32
    return %c0_i32, %c0_i32_0 : i32, i32
  }
  func.func @transform_9(%arg0: i32) -> (i32, i32) {
    %c0_i32 = arith.constant 0 : i32
    %c0_i32_0 = arith.constant 0 : i32
    %c0_i32_1 = arith.constant 0 : i32
    return %c0_i32, %c0_i32_0 : i32, i32
  }
  func.func @transform_10(%arg0: i32) -> (i32, i32) {
    %c0_i32 = arith.constant 0 : i32
    %c0_i32_0 = arith.constant 0 : i32
    %c0_i32_1 = arith.constant 0 : i32
    return %c0_i32, %c0_i32_0 : i32, i32
  }
  func.func @transform_11(%arg0: i32) -> (i32, i32) {
    %c0_i32 = arith.constant 0 : i32
    %c0_i32_0 = arith.constant 0 : i32
    return %arg0, %c0_i32 : i32, i32
  }
}

</mosaic_0001>

<sc_bundles>
// kernel: kernel.6.cloned.1.call-start
scs
__scs_entry_jumppad:
0x0: {  	(pc) =	sbr.rel $0x88, $3  }
0x1: {  	(tag) =	ssettag $0x0;
	lr =	simm.s32 $0x1  }
0x2: {  	[smem:$0x3F93] =	sst lr;
	_ =	strace $0xD0000000  }
0x3: {  	_ = 	snop  }
0x4: {  	_ = 	snop  }
0x5: {  	_ = 	snop  }
0x6: {  	_ = 	snop  }
0x7: {  	_ = 	snop  }
__scs_overlays_trampoline_lowered:
0x8: {  	[smem:$0x3FA2] =	sst s0  }
0x9: {  	[smem:$0x3FA3] =	sst s1  }
0xa: {  	[smem:$0x3FA4] =	sst s2  }
0xb: {  	[smem:$0x3FA5] =	sst s3  }
0xc: {  	[smem:$0x3FA6] =	sst s4  }
0xd: {  	[smem:$0x3FA7] =	sst s5  }
0xe: {  	[smem:$0x3FA8] =	sst s6  }
0xf: {  	[smem:$0x3FA9] =	sst s7  }
0x10: {  	[smem:$0x3FAA] =	sst s8  }
0x11: {  	[smem:$0x3FAB] =	sst s9;
	s0 =	simm.s32 @!p0 $0x0  }
0x12: {  	s1 =	sld [smem:$0x3F91];
	s0 =	simm.s32 @p0 $0x1  }
0x13: {  	[smem:$0x3FAC] =	sst s0;
	s0 =	simm.s32 @!p1 $0x0  }
0x14: {  	s2 =	sld [smem:$0x3F90];
	s0 =	simm.s32 @p1 $0x1  }
0x15: {  	[smem:$0x3FAD] =	sst s0;
	s0 =	simm.s32 @!p2 $0x0  }
0x16: {  	s3 =	sld [smem:$0x3FDB];
	s0 =	simm.s32 @p2 $0x1  }
0x17: {  	s4 =	simm.s32 $0x1BF5;
	[smem:$0x3FAF] =	sst s0  }
0x18: {  	s0 =	sld [smem:$0x3F92];
	_ =	swait.ge [sflag:s4], $0x0  }
0x19: {  	s7 =	sld [smem:$0x3F93]  }
0x1a: {  	s8 =	sadd.s32 $0xFFFFE003, lr  }
0x1b: {  	s9 =	sadd.s32 $0xFFFFFEF7, lr;
	s5 =	simm.s32 $0xFFFFFFFF;
	p2 =	slt.u32 s8, $0xFFFFF086  }
0x1c: {  	p1 =	slt.u32 s9, $0xF7A;
	s5 =	simm.s32 @!p2 $0x0  }
0x1d: {  	s5 =	simm.s32 @p1 $0x1;
	p0 =	seq.s32 s7, s2  }
0x1e: {  	s7 =	smul.u32 @!p0 $0xF7A, s2;
	p2 =	seq.s32 @!p0 s5, $0x0  }
0x1f: {  	s9 =	smul.u32 $0xF7A, s1;
	s8 =	simm.s32 @!p0 $0x1BF5;
	p2 =	por !p2, p0  }
0x20: {  	[sflag:s8] =	ssyncset.s32 @!p0 $0xFFFFF086;
	s6 =	sadd.s32 @!p0 s3, s7;
	s7 =	simm.s32 @!p0 $0x108  }
0x21: {  	s3 =	sadd.s32 s3, s9;
	s6 =	sadd.s32 @!p0 $0x88, s6;
	s7 =	simm.s32 @p2 $0x1082  }
0x22: {  	[simem:s7], [sflag:s8] =	dma.local @!p0 [hbm:s6], $0xF7A  }
0x23: {  	s9 =	sor.u32 $0xD0000000, s2;
	s6 =	simm.s32 $0x108;
	_ =	swait.ge @!p0 [sflag:s8], $0x0  }
0x24: {  	s3 =	sadd.s32 $0x88, s3;
	s6 =	simm.s32 @!p1 $0x1082;
	[sflag:s4] =	ssyncset.s32 $0xFFFFF086  }
0x25: {  	[simem:s6], [sflag:s4] =	dma.local [hbm:s3], $0xF7A  }
0x26: {  	[smem:$0x3F93] =	sst s1;
	(tag) =	ssettag s2;
	_ =	strace s9  }
0x27: {  	s1 =	sld [smem:$0x3FA3]  }
0x28: {  	s2 =	sld [smem:$0x3FA4]  }
0x29: {  	s4 =	sld [smem:$0x3FA6]  }
0x2a: {  	p0 =	seq.s32 s5, $0x0;
	s5 =	sld [smem:$0x3FA7]  }
0x2b: {  	s6 =	sld [smem:$0x3FA8]  }
0x2c: {  	s7 =	sld [smem:$0x3FA9]  }
0x2d: {  	s3 =	simm.s32 $0x108;
	s8 =	sld [smem:$0x3FAA]  }
0x2e: {  	s3 =	simm.s32 @!p0 $0x1082;
	s9 =	sld [smem:$0x3FAB]  }
0x2f: {  	lr =	sadd.s32 s0, s3;
	s0 =	sld [smem:$0x3FA2]  }
0x30: {  	s3 =	sld [smem:$0x3FA5]  }
0x31: {  	[smem:$0x3FAE] =	sst s10  }
0x32: {  	s10 =	sld [smem:$0x3FAC];
	_ =	sdelay $0x3  }
0x33: {  	p0 =	seq.s32 s10, $0x1;
	s10 =	sld [smem:$0x3FAE];
	_ =	sdelay $0x3  }
0x34: {  	[smem:$0x3FAE] =	sst s10  }
0x35: {  	s10 =	sld [smem:$0x3FAD];
	_ =	sdelay $0x3  }
0x36: {  	p1 =	seq.s32 s10, $0x1;
	s10 =	sld [smem:$0x3FAE];
	_ =	sdelay $0x3  }
0x37: {  	[smem:$0x3FAE] =	sst s10  }
0x38: {  	s10 =	sld [smem:$0x3FAF]  }
0x39: {  	_ = 	snop;
	(pc) =	sbr.ind lr, $3  }
0x3a: {  	_ = 	snop  }
0x3b: {  	_ = 	snop  }
0x3c: {  	p2 =	seq.s32 s10, $0x1;
	s10 =	sld [smem:$0x3FAE]  }
0x3d: {  	_ =	shalt  }
0x3e: {  	_ =	shalt  }
0x3f: {  	_ =	shalt  }
0x40: {  	_ =	shalt  }
0x41: {  	_ =	shalt  }
0x42: {  	_ =	shalt  }
0x43: {  	_ =	shalt  }
0x44: {  	_ =	shalt  }
0x45: {  	_ =	shalt  }
0x46: {  	_ =	shalt  }
0x47: {  	_ =	shalt  }
0x48: {  	_ =	shalt  }
0x49: {  	_ =	shalt  }
0x4a: {  	_ =	shalt  }
0x4b: {  	_ =	shalt  }
0x4c: {  	_ =	shalt  }
0x4d: {  	_ =	shalt  }
0x4e: {  	_ =	shalt  }
0x4f: {  	_ =	shalt  }
0x50: {  	_ =	shalt  }
0x51: {  	_ =	shalt  }
0x52: {  	_ =	shalt  }
0x53: {  	_ =	shalt  }
0x54: {  	_ =	shalt  }
0x55: {  	_ =	shalt  }
0x56: {  	_ =	shalt  }
0x57: {  	_ =	shalt  }
0x58: {  	_ =	shalt  }
0x59: {  	_ =	shalt  }
0x5a: {  	_ =	shalt  }
0x5b: {  	_ =	shalt  }
0x5c: {  	_ =	shalt  }
0x5d: {  	_ =	shalt  }
0x5e: {  	_ =	shalt  }
0x5f: {  	_ =	shalt  }
0x60: {  	_ =	shalt  }
0x61: {  	_ =	shalt  }
0x62: {  	_ =	shalt  }
0x63: {  	_ =	shalt  }
0x64: {  	_ =	shalt  }
0x65: {  	_ =	shalt  }
0x66: {  	_ =	shalt  }
0x67: {  	_ =	shalt  }
0x68: {  	_ =	shalt  }
0x69: {  	_ =	shalt  }
0x6a: {  	_ =	shalt  }
0x6b: {  	_ =	shalt  }
0x6c: {  	_ =	shalt  }
0x6d: {  	_ =	shalt  }
0x6e: {  	_ =	shalt  }
0x6f: {  	_ =	shalt  }
0x70: {  	_ =	shalt  }
0x71: {  	_ =	shalt  }
0x72: {  	_ =	shalt  }
0x73: {  	_ =	shalt  }
0x74: {  	_ =	shalt  }
0x75: {  	_ =	shalt  }
0x76: {  	_ =	shalt  }
0x77: {  	_ =	shalt  }
0x78: {  	_ =	shalt  }
0x79: {  	_ =	shalt  }
0x7a: {  	_ =	shalt  }
0x7b: {  	_ =	shalt  }
0x7c: {  	_ =	shalt  }
0x7d: {  	_ =	shalt  }
0x7e: {  	_ =	shalt  }
0x7f: {  	_ =	shalt  }
0x80: {  	_ =	shalt  }
0x81: {  	_ =	shalt  }
0x82: {  	_ =	shalt  }
0x83: {  	_ =	shalt  }
0x84: {  	_ =	shalt  }
0x85: {  	_ =	shalt  }
0x86: {  	_ =	shalt  }
0x87: {  	_ =	shalt  }
.Lfunc_end0:
.L_simem_size_0:
called_computation_lowered:
.L_overlay_start_0:
0x88: {  	s2 =	sld [smem:$0x3FD9]  }
0x89: {  	s3 =	sld [smem:$0x3FFE];
	_ =	sdelay $0x1  }
0x8a: {  	s1 =	srdreg.scid  }
0x8b: {  	s0 =	sand.u32 $0x1, s1  }
0x8c: {  	s14 =	sshll.u32 s0, $0xA;
	s2 =	sadd.s32 s3, s2  }
0x8d: {  	s2 =	sadd.s32 s2, s14  }
0x8e: {  	[smem:$0x3FBA] =	sst s2  }
0x8f: {  	_ = 	snop  }
0x90: {  	s2 =	sld [smem:$0x3FC9]  }
0x91: {  	s15 =	sld [smem:$0x3FD0]  }
0x92: {  	s4 =	sld [smem:$0x3FC8]  }
0x93: {  	s5 =	sld [smem:$0x3FC7]  }
0x94: {  	s7 =	simm.s32 $0xA;
	s8 =	simm.s32 $0x10;
	s6 =	sld [smem:$0x3FC6]  }
0x95: {  	[smem:s8], [sflag:s7] =	dma.local [hbm:s15], $0x1  }
0x96: {  	_ =	swait.eq [sflag:s7], $0x1  }
0x97: {  	[sflag:s7] =	ssyncset.done $0x0  }
0x98: {  	[sflag:s7] =	ssyncadd.s32 $0xFFFFFFFF  }
0x99: {  	s16 =	sld [smem:$0x10];
	(tm) =	ssettm $0x1  }
0x9a: {  	s17 =	sld [smem:$0x3FFB];
	_ =	sdelay $0x3  }
0x9b: {  	_ =	strace s17  }
0x9c: {  	s7 =	sld [smem:$0x3FFC];
	_ =	sdelay $0x3  }
0x9d: {  	_ =	strace s7  }
0x9e: {  	s7 =	sld [smem:$0x3FFD];
	_ =	sdelay $0x3  }
0x9f: {  	_ =	strace s7  }
0xa0: {  	_ =	strace $0x8FFFFFFF  }
0xa1: {  	s18 =	sld [smem:$0x3FDB];
	_ =	sdelay $0x1  }
0xa2: {  	s19 =	simm.s32 $_scs_section_size  }
0xa3: {  	s9 =	simm.s32 $_size__tile_overlayer_lowered;
	s10 =	simm.s32 $_tile_overlayer_lowered  }
0xa4: {  	s22 =	simm.s32 $0x1BFF;
	s21 =	sshll.u32 s10, $0x1;
	s7 =	sadd.s32 s19, s18  }
0xa5: {  	s11 =	simm.s32 $0x0;
	s20 =	sshll.u32 s9, $0x1;
	s9 =	sadd.s32 s21, s7  }
0xa6: {  	[timem:s11], [sflag:s22] =	dma.local [hbm:s9], s20  }
0xa7: {  	_ =	swait.ge [sflag:s22], s20  }
0xa8: {  	s8 =	ssub.s32 $0x0, s20;
	[sflag:s22] =	ssyncset.done $0x0  }
0xa9: {  	[sflag:s22] =	ssyncadd.s32 s8;
	_ =	sdelay $0x1  }
0xaa: {  	s23 =	simm.s32 $0x1B8B  }
0xab: {  	_ =	swait.ge [sflag:s23], $0x1  }
0xac: {  	[sflag:s23] =	ssyncset.done $0x0  }
0xad: {  	s25 =	simm.s32 $0x1B8E;
	s24 =	sld [smem:$0x3FFE];
	[sflag:s23] =	ssyncadd.s32 $0xFFFFFFFF  }
0xae: {  	s26 =	simm.s32 $execute0_lowered;
	[smem:$0x3FD2] =	sst s25  }
0xaf: {  	s9 =	sshll.u32 s26, $0x1;
	_ =	strace $0x80000046;
	[dreg:$0x1] =	wrdreg $0xFFFFFFFF  }
0xb0: {  	s28 =	simm.s32 $_size_execute0_lowered;
	s7 =	sadd.s32 s7, s9;
	[dreg:$0x0] =	wrdreg $0x0  }
0xb1: {  	s9 =	sshll.u32 s28, $0x1;
	[dreg:$0x2] =	wrdreg s7  }
0xb2: {  	[dreg:$0x3] =	wrdreg s9  }
0xb3: {  	[dreg:$0x4] =	wrdreg $0xC0  }
0xb4: {  	_ =	task [dreg:s11], $0x5FFFF  }
0xb5: {  	[dreg:$0x1] =	wrdreg $0xFFFFFFFF  }
0xb6: {  	[dreg:$0x0] =	wrdreg $0x60  }
0xb7: {  	[dreg:$0x2] =	wrdreg s2  }
0xb8: {  	[dreg:$0x3] =	wrdreg s4  }
0xb9: {  	[dreg:$0x4] =	wrdreg s5  }
0xba: {  	[dreg:$0x5] =	wrdreg s6  }
0xbb: {  	[dreg:$0x6] =	wrdreg s16  }
0xbc: {  	[dreg:$0x7] =	wrdreg s24  }
0xbd: {  	[dreg:$0x8] =	wrdreg $0x9  }
0xbe: {  	_ =	task.clear_ibuf [dreg:s11], $0x9FFFF;
	_ =	strace $0x90000046  }
0xbf: {  	s29 =	simm.s32 $0x9;
	_ =	strace $0x80000048  }
0xc0: {  	_ =	swait.ge [sflag:s29], $0x1  }
0xc1: {  	[sflag:s29] =	ssyncadd.s32 $0xFFFFFFFF  }
0xc2: {  	_ =	strace $0x90000048  }
0xc3: {  	_ =	sfence  }
0xc4: {  	s30 =	sld [smem:$0x0];
	_ =	sdelay $0x2  }
0xc5: {  	s31 =	sshll.u32 s1, $0xD;
	s1 =	sshrl.u32 s1, $0x2  }
0xc6: {  	s3 =	sand.u32 $0x4000, s31;
	s1 =	sadd.s32 s1, s30  }
0xc7: {  	s0 =	sor.u32 s3, s0;
	s1 =	sshll.u32 s1, $0x11  }
0xc8: {  	s0 =	sor.u32 s1, s0  }
0xc9: {  	s0 =	sadd.s32 $0x8F2B, s0  }
0xca: {  	[sflag:s0] =	ssyncadd.remote.s32 $0x1  }
0xcb: {  	_ =	sfence.sel $0xFFFF  }
0xcc: {  	[dreg:$0x0] =	wrdreg $0xFFFFFFFF;
	(pc) =	sbr.abs _section_cstart, $3  }
0xcd: {  	[dreg:$0x1] =	wrdreg $0xFFFFFFFF  }
0xce: {  	_ =	task.clear_ibuf [dreg:s11], $0x2FFFF;
	_ =	strace $0x9FFFFFFF  }
0xcf: {  	(tm) =	ssettm $0x7FFFFFFF  }
tec
execute0_lowered:
.L_overlay_start_1:
0x0: {  	(tag) =	ssettag $0x1  }
0x1: {  	s0 =	rddreg [dreg:$0x0]  }
0x2: {  	s4 =	rddreg [dreg:$0x1]  }
0x3: {  	s5 =	rddreg [dreg:$0x2]  }
0x4: {  	s6 =	rddreg [dreg:$0x3]  }
0x5: {  	s2 =	srdreg.scid;
	s9 =	rddreg [dreg:$0x4]  }
0x6: {  	s1 =	stileid.u32;
	s8 =	rddreg [dreg:$0x5];
	s14 =	simm.s32 $0x100  }
0x7: {  	s15 =	simm.s32 $0x180;
	s16 =	simm.s32 $0x980;
	s17 =	simm.s32 $0x1180  }
0x8: {  	s18 =	simm.s32 $0x1980;
	s19 =	simm.s32 $0x2180;
	s20 =	simm.s32 $0x2980  }
0x9: {  	s21 =	simm.s32 $0x3180;
	s22 =	simm.s32 $0x3980;
	s23 =	simm.s32 $0x4180  }
0xa: {  	s24 =	simm.s32 $0x4980;
	s25 =	simm.s32 $0x5180;
	s26 =	simm.s32 $0x5980  }
0xb: {  	s28 =	simm.s32 $0x1;
	s7 =	sand.u32 $0x1, s2;
	s3 =	sshll.u32 s1, $0x2  }
0xc: {  	s2 =	rddreg [dreg:$0x6];
	s10 =	sshll.u32 s7, $0x1;
	s7 =	ssub.s32 $0x2, s7  }
0xd: {  	s10 =	sor.u32 s10, s3;
	s3 =	simm.s32 $0x0;
	s12 =	sshrl.u32 s7, $0x1  }
0xe: {  	s11 =	smul.u32 $0x300, s10;
	[smem:$0x7FF] =	sst s3;
	s12 =	ssub.s32 s7, s12  }
0xf: {  	s4 =	sadd.s32 s4, s10;
	s5 =	sadd.s32 s5, s10;
	s6 =	sadd.s32 s6, s10  }
0x10: {  	v2 =	vlaneseq.u32;
	s7 =	sadd.s32 $0x100, s0;
	_ =	strace $0x80000047;
	s13 =	sadd.s32 s11, s8  }
0x11: {  	vm0 =	vmmov $0xffff;
	v1 =	vshrl.u32 v2, $0x3;
	s8 =	sadd.s32 $0x200, s0;
	s9 =	sadd.s32 s9, s11;
	s11 =	smax.u32 s12, $0x1  }
0x12: {  	v0 =	vand.u32 $0x7, v2;
	v2 =	vor.u32 $0x8, v2;
	v1 =	vmul.u32 $0x8, v1;
	s12 =	simm.s32 $0x2;
	s10 =	sadd.s32 $0x2E00, s13;
	s13 =	simm.s32 $0x80  }
.LBB2_1:
0x13: {  	[tilespmem:s3], [sflag:$0x2] =	stream.linear.gather [hbm4b:s4+s3], $0x10, $0x38;
	[tilespmem:$0x6180] =	vst v63  }
0x14: {  	_ =	swait.ge [sflag:s12], $0x10  }
0x15: {  	[sflag:s12] =	ssyncset.done $0x0  }
0x16: {  	[sflag:s12] =	ssyncadd.s32 $0xFFFFFFF0  }
0x17: {  	[tilespmem:s13], [sflag:$0x2] =	stream.linear.gather [hbm4b:s5+s3], $0x10, $0x38;
	[tilespmem:$0x6180] =	vst v63  }
0x18: {  	_ =	swait.ge [sflag:s12], $0x10  }
0x19: {  	[sflag:s12] =	ssyncset.done $0x0  }
0x1a: {  	[sflag:s12] =	ssyncadd.s32 $0xFFFFFFF0  }
0x1b: {  	[tilespmem:s14], [sflag:$0x2] =	stream.linear.gather [hbm4b:s6+s3], $0x10, $0x38;
	[tilespmem:$0x6180] =	vst v63  }
0x1c: {  	_ =	swait.ge [sflag:s12], $0x10  }
0x1d: {  	[sflag:s12] =	ssyncset.done $0x0  }
0x1e: {  	[sflag:s12] =	ssyncadd.s32 $0xFFFFFFF0  }
0x1f: {  	v3 =	vld [tilespmem:$0x0]  }
0x20: {  	v4 =	vld [tilespmem:$0x80];
	_ =	sdelay $0x3  }
0x21: {  	v3 =	vshll.u32 v3, $0xB  }
0x22: {  	v3 =	vadd.s32 v4, v3  }
0x23: {  	[tilespmem:$0x80] =	vst v3  }
0x24: {  	v3 =	vld [tilespmem:$0x80];
	_ =	sdelay $0x4  }
0x25: {  	v61 =	vshrl.u32 v3, $0x3  }
0x26: {  	v4 =	vmul.u32 $0x30, v61  }
0x27: {  	v3 =	vand.u32 $0x7, v3  }
0x28: {  	v5 =	vld [tilespmem:$0x0];
	v3 =	vor.u32 v3, v4  }
0x29: {  	v62 =	vld [tilespmem:$0x100];
	v6 =	vperm.xlane v3, v0;
	_ =	sdelay $0x1  }
0x2a: {  	v6 =	vadd.s32 v1, v6;
	_ =	sdelay $0x1  }
0x2b: {  	v5 =	vshll.u32 v5, $0xB  }
0x2c: {  	v4 =	vadd.s32 v62, v5  }
0x2d: {  	[tilespmem:$0x100] =	vst v4;
	v3 =	vperm.xlane v3, v2  }
0x2e: {  	[tilespmem:s15], [sflag:$0x1] =	stream.indirect_vreg.gather [hbm4b:s0+s3], $0x80, v6, vm0, $0xb8;
	[tilespmem:$0x6180] =	vst v63  }
0x2f: {  	v3 =	vadd.s32 v1, v3  }
0x30: {  	[tilespmem:s16], [sflag:$0x1] =	stream.indirect_vreg.gather [hbm4b:s7+s3], $0x80, v6, vm0, $0xb8;
	[tilespmem:$0x6180] =	vst v63  }
0x31: {  	_ = 	snop  }
0x32: {  	[tilespmem:s17], [sflag:$0x1] =	stream.indirect_vreg.gather [hbm4b:s8+s3], $0x80, v6, vm0, $0xb8;
	[tilespmem:$0x6180] =	vst v63  }
0x33: {  	_ = 	snop  }
0x34: {  	[tilespmem:s18], [sflag:$0x1] =	stream.indirect_vreg.gather [hbm4b:s0+s3], $0x80, v3, vm0, $0xb8;
	[tilespmem:$0x6180] =	vst v63  }
0x35: {  	_ = 	snop  }
0x36: {  	[tilespmem:s19], [sflag:$0x1] =	stream.indirect_vreg.gather [hbm4b:s7+s3], $0x80, v3, vm0, $0xb8;
	[tilespmem:$0x6180] =	vst v63  }
0x37: {  	_ = 	snop  }
0x38: {  	[tilespmem:s20], [sflag:$0x1] =	stream.indirect_vreg.gather [hbm4b:s8+s3], $0x80, v3, vm0, $0xb8;
	[tilespmem:$0x6180] =	vst v63  }
0x39: {  	v3 =	vld [tilespmem:$0x100];
	_ =	sdelay $0x4  }
0x3a: {  	v63 =	vshrl.u32 v3, $0x3  }
0x3b: {  	v4 =	vmul.u32 $0x30, v63  }
0x3c: {  	v3 =	vand.u32 $0x7, v3  }
0x3d: {  	v3 =	vor.u32 v3, v4  }
0x3e: {  	v4 =	vperm.xlane v3, v0;
	_ =	sdelay $0x1  }
0x3f: {  	v4 =	vadd.s32 v1, v4;
	_ =	sdelay $0x3  }
0x40: {  	v3 =	vperm.xlane v3, v2  }
0x41: {  	[tilespmem:s21], [sflag:$0x1] =	stream.indirect_vreg.gather [hbm4b:s0+s3], $0x80, v4, vm0, $0xb8;
	[tilespmem:$0x6180] =	vst v63  }
0x42: {  	v3 =	vadd.s32 v1, v3  }
0x43: {  	[tilespmem:s22], [sflag:$0x1] =	stream.indirect_vreg.gather [hbm4b:s7+s3], $0x80, v4, vm0, $0xb8;
	[tilespmem:$0x6180] =	vst v63  }
0x44: {  	_ = 	snop  }
0x45: {  	[tilespmem:s23], [sflag:$0x1] =	stream.indirect_vreg.gather [hbm4b:s8+s3], $0x80, v4, vm0, $0xb8;
	[tilespmem:$0x6180] =	vst v63  }
0x46: {  	_ = 	snop  }
0x47: {  	[tilespmem:s24], [sflag:$0x1] =	stream.indirect_vreg.gather [hbm4b:s0+s3], $0x80, v3, vm0, $0xb8;
	[tilespmem:$0x6180] =	vst v63  }
0x48: {  	_ = 	snop  }
0x49: {  	[tilespmem:s25], [sflag:$0x1] =	stream.indirect_vreg.gather [hbm4b:s7+s3], $0x80, v3, vm0, $0xb8;
	[tilespmem:$0x6180] =	vst v63  }
0x4a: {  	_ = 	snop  }
0x4b: {  	[tilespmem:s26], [sflag:$0x1] =	stream.indirect_vreg.gather [hbm4b:s8+s3], $0x80, v3, vm0, $0xb8;
	[tilespmem:$0x6180] =	vst v63  }
0x4c: {  	_ =	swait.ge [sflag:s28], $0x3000  }
0x4d: {  	[sflag:s28] =	ssyncset.done $0x0  }
0x4e: {  	[sflag:s28] =	ssyncadd.s32 $0xFFFFD000  }
0x4f: {  	_ =	swait.ge [sflag:s28], $0x3000  }
0x50: {  	[sflag:s28] =	ssyncset.done $0x0  }
0x51: {  	[sflag:s28] =	ssyncadd.s32 $0xFFFFD000  }
0x52: {  	[hbm4b:s9+s3] =	stream.linear.scatter [tilespmem:s15], [sflag:$0x2], $0x3000, $0x38;
	[tilespmem:$0x6180] =	vst v63  }
0x53: {  	_ =	swait.ge [sflag:s12], $0x3000  }
0x54: {  	p0 =	sne.s32 s11, $0x1;
	[sflag:s12] =	ssyncset.done $0x0  }
.Ltmp0:
0x55: {  	[sflag:s12] =	ssyncadd.s32 $0xFFFFD000;
	(pc) =	sbr.rel @p0 .LBB2_1-.Ltmp0, $4  }
0x56: {  	[hbm4b:s10+s3] =	stream.linear.scatter [tilespmem:s21], [sflag:$0x2], $0x3000, $0x38;
	[tilespmem:$0x6180] =	vst v63  }
0x57: {  	_ =	swait.ge [sflag:s12], $0x3000  }
0x58: {  	[sflag:s12] =	ssyncset.done $0x0  }
0x59: {  	s11 =	sadd.s32 $0xFFFFFFFF, s11;
	[sflag:s12] =	ssyncadd.s32 $0xFFFFD000  }
0x5a: {  	_ =	sfence.sel $0x180000  }
0x5b: {  	[bflag:$0x0] =	sbarrier.arrive $0xFFFF  }
0x5c: {  	p0 =	sne.s32 s1, $0x0;
	_ =	strace $0x90000047  }
0x5d: {  	s0 =	sadd.s32 @!p0 $0x100000, s2;
	[bflag:$0x2] =	sbarrier.arrive $0xFFFF  }
0x5e: {  	[sflag:s0] =	ssyncadd.tile.s32 @!p0 $0x1;
	_ =	shalt  }
.Lfunc_end2:
_tile_overlayer_lowered:
.L_overlay_start_2:
0x5f: {  	(tag) =	ssettag $0x2  }
0x60: {  	s0 =	rddreg [dreg:$0x0];
	s2 =	stileid.u32  }
0x61: {  	s1 =	rddreg [dreg:$0x1];
	p0 =	sne.s32 s2, $0x0  }
0x62: {  	s3 =	rddreg [dreg:$0x2];
	[bflag:$0x3] =	sbarrier.arrive $0xFFFF;
	s2 =	simm.s32 @!p0 $0x1C02  }
0x63: {  	[timem:s3], [sflag:s2] =	dma.local @!p0 [hbm:s0], s1  }
0x64: {  	s0 =	simm.s32 @!p0 $0x2  }
0x65: {  	_ =	swait.ge @!p0 [sflag:s0], s1  }
0x66: {  	s1 =	ssub.s32 @!p0 $0x0, s1;
	[sflag:s0] =	ssyncset.done @!p0 $0x0  }
0x67: {  	[sflag:s0] =	ssyncadd.s32 @!p0 s1  }
0x68: {  	[bflag:$0x3] =	sbarrier.arrive $0xFFFF  }
0x69: {  	_ =	shalt  }

// kernel: kernel.9.cloned.1.call-start
scs
__scs_entry_jumppad:
0x0: {  	(pc) =	sbr.rel $0x88, $3  }
0x1: {  	(tag) =	ssettag $0x0;
	lr =	simm.s32 $0x1  }
0x2: {  	[smem:$0x3F93] =	sst lr;
	_ =	strace $0xD0000000  }
0x3: {  	_ = 	snop  }
0x4: {  	_ = 	snop  }
0x5: {  	_ = 	snop  }
0x6: {  	_ = 	snop  }
0x7: {  	_ = 	snop  }
__scs_overlays_trampoline_lowered:
0x8: {  	[smem:$0x3FA2] =	sst s0  }
0x9: {  	[smem:$0x3FA3] =	sst s1  }
0xa: {  	[smem:$0x3FA4] =	sst s2  }
0xb: {  	[smem:$0x3FA5] =	sst s3  }
0xc: {  	[smem:$0x3FA6] =	sst s4  }
0xd: {  	[smem:$0x3FA7] =	sst s5  }
0xe: {  	[smem:$0x3FA8] =	sst s6  }
0xf: {  	[smem:$0x3FA9] =	sst s7  }
0x10: {  	[smem:$0x3FAA] =	sst s8  }
0x11: {  	[smem:$0x3FAB] =	sst s9;
	s0 =	simm.s32 @!p0 $0x0  }
0x12: {  	s1 =	sld [smem:$0x3F91];
	s0 =	simm.s32 @p0 $0x1  }
0x13: {  	[smem:$0x3FAC] =	sst s0;
	s0 =	simm.s32 @!p1 $0x0  }
0x14: {  	s2 =	sld [smem:$0x3F90];
	s0 =	simm.s32 @p1 $0x1  }
0x15: {  	[smem:$0x3FAD] =	sst s0;
	s0 =	simm.s32 @!p2 $0x0  }
0x16: {  	s3 =	sld [smem:$0x3FDB];
	s0 =	simm.s32 @p2 $0x1  }
0x17: {  	s4 =	simm.s32 $0x1BF5;
	[smem:$0x3FAF] =	sst s0  }
0x18: {  	s0 =	sld [smem:$0x3F92];
	_ =	swait.ge [sflag:s4], $0x0  }
0x19: {  	s7 =	sld [smem:$0x3F93]  }
0x1a: {  	s8 =	sadd.s32 $0xFFFFE003, lr  }
0x1b: {  	s9 =	sadd.s32 $0xFFFFFEF7, lr;
	s5 =	simm.s32 $0xFFFFFFFF;
	p2 =	slt.u32 s8, $0xFFFFF086  }
0x1c: {  	p1 =	slt.u32 s9, $0xF7A;
	s5 =	simm.s32 @!p2 $0x0  }
0x1d: {  	s5 =	simm.s32 @p1 $0x1;
	p0 =	seq.s32 s7, s2  }
0x1e: {  	s7 =	smul.u32 @!p0 $0xF7A, s2;
	p2 =	seq.s32 @!p0 s5, $0x0  }
0x1f: {  	s9 =	smul.u32 $0xF7A, s1;
	s8 =	simm.s32 @!p0 $0x1BF5;
	p2 =	por !p2, p0  }
0x20: {  	[sflag:s8] =	ssyncset.s32 @!p0 $0xFFFFF086;
	s6 =	sadd.s32 @!p0 s3, s7;
	s7 =	simm.s32 @!p0 $0x108  }
0x21: {  	s3 =	sadd.s32 s3, s9;
	s6 =	sadd.s32 @!p0 $0x88, s6;
	s7 =	simm.s32 @p2 $0x1082  }
0x22: {  	[simem:s7], [sflag:s8] =	dma.local @!p0 [hbm:s6], $0xF7A  }
0x23: {  	s9 =	sor.u32 $0xD0000000, s2;
	s6 =	simm.s32 $0x108;
	_ =	swait.ge @!p0 [sflag:s8], $0x0  }
0x24: {  	s3 =	sadd.s32 $0x88, s3;
	s6 =	simm.s32 @!p1 $0x1082;
	[sflag:s4] =	ssyncset.s32 $0xFFFFF086  }
0x25: {  	[simem:s6], [sflag:s4] =	dma.local [hbm:s3], $0xF7A  }
0x26: {  	[smem:$0x3F93] =	sst s1;
	(tag) =	ssettag s2;
	_ =	strace s9  }
0x27: {  	s1 =	sld [smem:$0x3FA3]  }
0x28: {  	s2 =	sld [smem:$0x3FA4]  }
0x29: {  	s4 =	sld [smem:$0x3FA6]  }
0x2a: {  	p0 =	seq.s32 s5, $0x0;
	s5 =	sld [smem:$0x3FA7]  }
0x2b: {  	s6 =	sld [smem:$0x3FA8]  }
0x2c: {  	s7 =	sld [smem:$0x3FA9]  }
0x2d: {  	s3 =	simm.s32 $0x108;
	s8 =	sld [smem:$0x3FAA]  }
0x2e: {  	s3 =	simm.s32 @!p0 $0x1082;
	s9 =	sld [smem:$0x3FAB]  }
0x2f: {  	lr =	sadd.s32 s0, s3;
	s0 =	sld [smem:$0x3FA2]  }
0x30: {  	s3 =	sld [smem:$0x3FA5]  }
0x31: {  	[smem:$0x3FAE] =	sst s10  }
0x32: {  	s10 =	sld [smem:$0x3FAC];
	_ =	sdelay $0x3  }
0x33: {  	p0 =	seq.s32 s10, $0x1;
	s10 =	sld [smem:$0x3FAE];
	_ =	sdelay $0x3  }
0x34: {  	[smem:$0x3FAE] =	sst s10  }
0x35: {  	s10 =	sld [smem:$0x3FAD];
	_ =	sdelay $0x3  }
0x36: {  	p1 =	seq.s32 s10, $0x1;
	s10 =	sld [smem:$0x3FAE];
	_ =	sdelay $0x3  }
0x37: {  	[smem:$0x3FAE] =	sst s10  }
0x38: {  	s10 =	sld [smem:$0x3FAF]  }
0x39: {  	_ = 	snop;
	(pc) =	sbr.ind lr, $3  }
0x3a: {  	_ = 	snop  }
0x3b: {  	_ = 	snop  }
0x3c: {  	p2 =	seq.s32 s10, $0x1;
	s10 =	sld [smem:$0x3FAE]  }
0x3d: {  	_ =	shalt  }
0x3e: {  	_ =	shalt  }
0x3f: {  	_ =	shalt  }
0x40: {  	_ =	shalt  }
0x41: {  	_ =	shalt  }
0x42: {  	_ =	shalt  }
0x43: {  	_ =	shalt  }
0x44: {  	_ =	shalt  }
0x45: {  	_ =	shalt  }
0x46: {  	_ =	shalt  }
0x47: {  	_ =	shalt  }
0x48: {  	_ =	shalt  }
0x49: {  	_ =	shalt  }
0x4a: {  	_ =	shalt  }
0x4b: {  	_ =	shalt  }
0x4c: {  	_ =	shalt  }
0x4d: {  	_ =	shalt  }
0x4e: {  	_ =	shalt  }
0x4f: {  	_ =	shalt  }
0x50: {  	_ =	shalt  }
0x51: {  	_ =	shalt  }
0x52: {  	_ =	shalt  }
0x53: {  	_ =	shalt  }
0x54: {  	_ =	shalt  }
0x55: {  	_ =	shalt  }
0x56: {  	_ =	shalt  }
0x57: {  	_ =	shalt  }
0x58: {  	_ =	shalt  }
0x59: {  	_ =	shalt  }
0x5a: {  	_ =	shalt  }
0x5b: {  	_ =	shalt  }
0x5c: {  	_ =	shalt  }
0x5d: {  	_ =	shalt  }
0x5e: {  	_ =	shalt  }
0x5f: {  	_ =	shalt  }
0x60: {  	_ =	shalt  }
0x61: {  	_ =	shalt  }
0x62: {  	_ =	shalt  }
0x63: {  	_ =	shalt  }
0x64: {  	_ =	shalt  }
0x65: {  	_ =	shalt  }
0x66: {  	_ =	shalt  }
0x67: {  	_ =	shalt  }
0x68: {  	_ =	shalt  }
0x69: {  	_ =	shalt  }
0x6a: {  	_ =	shalt  }
0x6b: {  	_ =	shalt  }
0x6c: {  	_ =	shalt  }
0x6d: {  	_ =	shalt  }
0x6e: {  	_ =	shalt  }
0x6f: {  	_ =	shalt  }
0x70: {  	_ =	shalt  }
0x71: {  	_ =	shalt  }
0x72: {  	_ =	shalt  }
0x73: {  	_ =	shalt  }
0x74: {  	_ =	shalt  }
0x75: {  	_ =	shalt  }
0x76: {  	_ =	shalt  }
0x77: {  	_ =	shalt  }
0x78: {  	_ =	shalt  }
0x79: {  	_ =	shalt  }
0x7a: {  	_ =	shalt  }
0x7b: {  	_ =	shalt  }
0x7c: {  	_ =	shalt  }
0x7d: {  	_ =	shalt  }
0x7e: {  	_ =	shalt  }
0x7f: {  	_ =	shalt  }
0x80: {  	_ =	shalt  }
0x81: {  	_ =	shalt  }
0x82: {  	_ =	shalt  }
0x83: {  	_ =	shalt  }
0x84: {  	_ =	shalt  }
0x85: {  	_ =	shalt  }
0x86: {  	_ =	shalt  }
0x87: {  	_ =	shalt  }
.Lfunc_end0:
.L_simem_size_0:
called_computation.1_lowered:
.L_overlay_start_0:
0x88: {  	s2 =	sld [smem:$0x3FD9]  }
0x89: {  	s3 =	sld [smem:$0x3FFE];
	_ =	sdelay $0x1  }
0x8a: {  	s1 =	srdreg.scid  }
0x8b: {  	s0 =	sand.u32 $0x1, s1  }
0x8c: {  	s14 =	sshll.u32 s0, $0xA;
	s2 =	sadd.s32 s3, s2  }
0x8d: {  	s2 =	sadd.s32 s2, s14  }
0x8e: {  	[smem:$0x3FBA] =	sst s2  }
0x8f: {  	_ = 	snop  }
0x90: {  	s2 =	sld [smem:$0x3FD0];
	_ =	sdelay $0x1  }
0x91: {  	s15 =	sld [smem:$0x3FC3]  }
0x92: {  	s5 =	simm.s32 $0xA;
	s6 =	simm.s32 $0x10;
	s4 =	sld [smem:$0x3FC2]  }
0x93: {  	[smem:s6], [sflag:s5] =	dma.local [hbm:s2], $0x1  }
0x94: {  	_ =	swait.eq [sflag:s5], $0x1  }
0x95: {  	[sflag:s5] =	ssyncset.done $0x0  }
0x96: {  	s16 =	sld [smem:$0x10];
	[sflag:s5] =	ssyncadd.s32 $0xFFFFFFFF  }
0x97: {  	s17 =	sld [smem:$0x13];
	(tm) =	ssettm $0x1  }
0x98: {  	s18 =	sld [smem:$0x3FFB];
	_ =	sdelay $0x3  }
0x99: {  	_ =	strace s18  }
0x9a: {  	s6 =	sld [smem:$0x3FFC];
	_ =	sdelay $0x3  }
0x9b: {  	_ =	strace s6  }
0x9c: {  	s6 =	sld [smem:$0x3FFD];
	_ =	sdelay $0x3  }
0x9d: {  	_ =	strace s6  }
0x9e: {  	_ =	strace $0x8FFFFFFF  }
0x9f: {  	s19 =	sld [smem:$0x3FDB];
	_ =	sdelay $0x1  }
0xa0: {  	s7 =	simm.s32 $_scs_section_size  }
0xa1: {  	s8 =	simm.s32 $_size__tile_overlayer_lowered;
	s9 =	simm.s32 $_tile_overlayer_lowered  }
0xa2: {  	s22 =	simm.s32 $0x1BFF;
	s21 =	sshll.u32 s9, $0x1;
	s6 =	sadd.s32 s7, s19  }
0xa3: {  	s10 =	simm.s32 $0x0;
	s20 =	sshll.u32 s8, $0x1;
	s8 =	sadd.s32 s21, s6  }
0xa4: {  	[timem:s10], [sflag:s22] =	dma.local [hbm:s8], s20  }
0xa5: {  	_ =	swait.ge [sflag:s22], s20  }
0xa6: {  	s7 =	ssub.s32 $0x0, s20;
	[sflag:s22] =	ssyncset.done $0x0  }
0xa7: {  	[sflag:s22] =	ssyncadd.s32 s7;
	_ =	sdelay $0x1  }
0xa8: {  	s23 =	simm.s32 $0x1B8B  }
0xa9: {  	_ =	swait.ge [sflag:s23], $0x1  }
0xaa: {  	[sflag:s23] =	ssyncset.done $0x0  }
0xab: {  	s25 =	simm.s32 $0x1B8E;
	s24 =	sld [smem:$0x3FFE];
	[sflag:s23] =	ssyncadd.s32 $0xFFFFFFFF  }
0xac: {  	s26 =	simm.s32 $execute0_lowered;
	[smem:$0x3FD2] =	sst s25  }
0xad: {  	s8 =	sshll.u32 s26, $0x1;
	_ =	strace $0x80000049;
	[dreg:$0x1] =	wrdreg $0xFFFFFFFF  }
0xae: {  	s28 =	simm.s32 $_size_execute0_lowered;
	s6 =	sadd.s32 s6, s8;
	[dreg:$0x0] =	wrdreg $0x0  }
0xaf: {  	s8 =	sshll.u32 s28, $0x1;
	[dreg:$0x2] =	wrdreg s6  }
0xb0: {  	[dreg:$0x3] =	wrdreg s8  }
0xb1: {  	[dreg:$0x4] =	wrdreg $0xC0  }
0xb2: {  	_ =	task [dreg:s10], $0x5FFFF  }
0xb3: {  	[dreg:$0x1] =	wrdreg $0xFFFFFFFF  }
0xb4: {  	[dreg:$0x0] =	wrdreg $0x60  }
0xb5: {  	[dreg:$0x2] =	wrdreg s17  }
0xb6: {  	[dreg:$0x3] =	wrdreg s4  }
0xb7: {  	[dreg:$0x4] =	wrdreg s15  }
0xb8: {  	[dreg:$0x5] =	wrdreg s16  }
0xb9: {  	[dreg:$0x6] =	wrdreg s24  }
0xba: {  	[dreg:$0x7] =	wrdreg $0x9  }
0xbb: {  	_ =	task.clear_ibuf [dreg:s10], $0x8FFFF;
	_ =	strace $0x90000049  }
0xbc: {  	s29 =	simm.s32 $0x9;
	_ =	strace $0x8000004B  }
0xbd: {  	_ =	swait.ge [sflag:s29], $0x1  }
0xbe: {  	[sflag:s29] =	ssyncadd.s32 $0xFFFFFFFF  }
0xbf: {  	_ =	strace $0x9000004B  }
0xc0: {  	_ =	sfence  }
0xc1: {  	s30 =	sld [smem:$0x0];
	_ =	sdelay $0x2  }
0xc2: {  	s31 =	sshll.u32 s1, $0xD;
	s1 =	sshrl.u32 s1, $0x2  }
0xc3: {  	s3 =	sand.u32 $0x4000, s31;
	s1 =	sadd.s32 s1, s30  }
0xc4: {  	s0 =	sor.u32 s3, s0;
	s1 =	sshll.u32 s1, $0x11  }
0xc5: {  	s0 =	sor.u32 s1, s0  }
0xc6: {  	s0 =	sadd.s32 $0x8F2B, s0  }
0xc7: {  	[sflag:s0] =	ssyncadd.remote.s32 $0x1  }
0xc8: {  	_ =	sfence.sel $0xFFFF  }
0xc9: {  	[dreg:$0x0] =	wrdreg $0xFFFFFFFF;
	(pc) =	sbr.abs _section_cstart, $3  }
0xca: {  	[dreg:$0x1] =	wrdreg $0xFFFFFFFF  }
0xcb: {  	_ =	task.clear_ibuf [dreg:s10], $0x2FFFF;
	_ =	strace $0x9FFFFFFF  }
0xcc: {  	(tm) =	ssettm $0x7FFFFFFF  }
0xcd: {  	_ =	shalt  }
tec
execute0_lowered:
.L_overlay_start_1:
0x0: {  	(tag) =	ssettag $0x1  }
0x1: {  	s5 =	rddreg [dreg:$0x0]  }
0x2: {  	s1 =	rddreg [dreg:$0x1]  }
0x3: {  	s2 =	rddreg [dreg:$0x2];
	s3 =	srdreg.scid  }
0x4: {  	s20 =	rddreg [dreg:$0x3];
	s0 =	stileid.u32;
	s22 =	sand.u32 $0x1, s3  }
0x5: {  	s21 =	rddreg [dreg:$0x4];
	s6 =	sshll.u32 s0, $0xA;
	s7 =	sshll.u32 s22, $0x9  }
0x6: {  	s4 =	simm.s32 $0x0;
	s3 =	rddreg [dreg:$0x5];
	s23 =	sor.u32 s7, s6  }
0x7: {  	[smem:$0x7FF] =	sst s4;
	s24 =	sshrl.u32 s23, $0x3  }
0x8: {  	_ =	strace $0x8000004A;
	s6 =	sadd.s32 s5, s24;
	s5 =	simm.s32 $0x3  }
0x9: {  	[tilespmem:s4], [sflag:$0x3] =	stream.linear.gather [hbm4b:s6+s4], $0x200, $0x38;
	[tilespmem:$0x10400] =	vst v63  }
0xa: {  	_ =	swait.ge [sflag:s5], $0x200  }
0xb: {  	[sflag:s5] =	ssyncset.done $0x0  }
0xc: {  	s8 =	simm.s32 $0x200;
	s7 =	simm.s32 $0x80;
	[sflag:s5] =	ssyncadd.s32 $0xFFFFFE00  }
0xd: {  	[tilespmem:s8], [sflag:$0x1] =	stream.indirect.gather [hbm4b:s1+s7], $0x80, s4, s7, $0xb8;
	[tilespmem:$0x10400] =	vst v63  }
0xe: {  	s9 =	simm.s32 $0x10200  }
0xf: {  	[tilespmem:s9], [sflag:$0x2] =	stream.indirect.gather [hbm4b:s2+s7], $0x1, s4, s7, $0xb8;
	[tilespmem:$0x10400] =	vst v63  }
0x10: {  	s10 =	simm.s32 $0x4200  }
0x11: {  	[tilespmem:s10], [sflag:$0x1] =	stream.indirect.gather [hbm4b:s1+s7], $0x80, s7, s7, $0xb8;
	[tilespmem:$0x10400] =	vst v63  }
0x12: {  	s11 =	simm.s32 $0x10280  }
0x13: {  	[tilespmem:s11], [sflag:$0x2] =	stream.indirect.gather [hbm4b:s2+s7], $0x1, s7, s7, $0xb8;
	[tilespmem:$0x10400] =	vst v63  }
0x14: {  	s12 =	simm.s32 $0x100;
	s13 =	simm.s32 $0x8200  }
0x15: {  	[tilespmem:s13], [sflag:$0x1] =	stream.indirect.gather [hbm4b:s1+s7], $0x80, s12, s7, $0xb8;
	[tilespmem:$0x10400] =	vst v63  }
0x16: {  	s14 =	simm.s32 $0x10300  }
0x17: {  	[tilespmem:s14], [sflag:$0x2] =	stream.indirect.gather [hbm4b:s2+s7], $0x1, s12, s7, $0xb8;
	[tilespmem:$0x10400] =	vst v63  }
0x18: {  	s15 =	simm.s32 $0x180;
	s16 =	simm.s32 $0xC200  }
0x19: {  	[tilespmem:s16], [sflag:$0x1] =	stream.indirect.gather [hbm4b:s1+s7], $0x80, s15, s7, $0xb8;
	[tilespmem:$0x10400] =	vst v63  }
0x1a: {  	s17 =	simm.s32 $0x10380;
	s18 =	simm.s32 $0x1  }
0x1b: {  	[tilespmem:s17], [sflag:$0x2] =	stream.indirect.gather [hbm4b:s2+s7], $0x1, s15, s7, $0xb8;
	[tilespmem:$0x10400] =	vst v63  }
0x1c: {  	_ =	swait.ge [sflag:s18], $0x4000  }
0x1d: {  	[sflag:s18] =	ssyncset.done $0x0  }
0x1e: {  	s19 =	simm.s32 $0x2;
	[sflag:s18] =	ssyncadd.s32 $0xFFFFC000  }
0x1f: {  	_ =	swait.ge [sflag:s19], $0x80  }
0x20: {  	[sflag:s19] =	ssyncset.done $0x0  }
0x21: {  	[sflag:s19] =	ssyncadd.s32 $0xFFFFFF80  }
0x22: {  	_ =	swait.ge [sflag:s18], $0x4000  }
0x23: {  	[sflag:s18] =	ssyncset.done $0x0  }
0x24: {  	[sflag:s18] =	ssyncadd.s32 $0xFFFFC000  }
0x25: {  	_ =	swait.ge [sflag:s19], $0x80  }
0x26: {  	[sflag:s19] =	ssyncset.done $0x0  }
0x27: {  	[sflag:s19] =	ssyncadd.s32 $0xFFFFFF80  }
0x28: {  	_ =	swait.ge [sflag:s18], $0x4000  }
0x29: {  	[sflag:s18] =	ssyncset.done $0x0  }
0x2a: {  	[sflag:s18] =	ssyncadd.s32 $0xFFFFC000  }
0x2b: {  	_ =	swait.ge [sflag:s19], $0x80  }
0x2c: {  	[sflag:s19] =	ssyncset.done $0x0  }
0x2d: {  	[sflag:s19] =	ssyncadd.s32 $0xFFFFFF80  }
0x2e: {  	_ =	swait.ge [sflag:s18], $0x4000  }
0x2f: {  	[sflag:s18] =	ssyncset.done $0x0  }
0x30: {  	s22 =	ssub.s32 $0x2, s22;
	[sflag:s18] =	ssyncadd.s32 $0xFFFFC000  }
0x31: {  	s31 =	sshrl.u32 s22, $0x1;
	_ =	swait.ge [sflag:s19], $0x80  }
0x32: {  	s23 =	sshll.u32 s23, $0x4;
	s22 =	ssub.s32 s22, s31;
	[sflag:s19] =	ssyncset.done $0x0  }
0x33: {  	s20 =	sadd.s32 s20, s23;
	s22 =	smax.u32 s22, $0x1;
	[sflag:s19] =	ssyncadd.s32 $0xFFFFFF80  }
0x34: {  	[hbm4b:s20+s4] =	stream.linear.scatter [tilespmem:s8], [sflag:$0x3], $0x10000, $0x38;
	[tilespmem:$0x10400] =	vst v63  }
0x35: {  	p0 =	sne.s32 s22, $0x1;
	_ =	swait.ge [sflag:s5], $0x10000  }
.Ltmp0:
0x36: {  	s21 =	sadd.s32 s24, s21;
	[sflag:s5] =	ssyncset.done $0x0;
	(pc) =	sbr.rel @!p0 .LBB2_2-.Ltmp0, $4  }
0x37: {  	s21 =	sadd.s32 $0x2E00, s21;
	[sflag:s5] =	ssyncadd.s32 $0xFFFF0000  }
0x38: {  	[hbm4b:s21+s4] =	stream.linear.scatter [tilespmem:s9], [sflag:$0x3], $0x200, $0x38;
	[tilespmem:$0x10400] =	vst v63  }
0x39: {  	_ =	swait.ge [sflag:s5], $0x200  }
0x3a: {  	s22 =	sadd.s32 $0xFFFFFFFF, s22;
	[sflag:s5] =	ssyncset.done $0x0  }
.LBB2_1:
0x3b: {  	p0 =	sne.s32 s22, $0x1;
	s22 =	sadd.s32 $0xFFFFFFFF, s22;
	[sflag:s5] =	ssyncadd.s32 $0xFFFFFE00  }
0x3c: {  	[tilespmem:s4], [sflag:$0x3] =	stream.linear.gather [hbm4b:s6+s4], $0x200, $0x38;
	[tilespmem:$0x10400] =	vst v63  }
0x3d: {  	_ =	swait.ge [sflag:s5], $0x200  }
0x3e: {  	[sflag:s5] =	ssyncset.done $0x0  }
0x3f: {  	[sflag:s5] =	ssyncadd.s32 $0xFFFFFE00  }
0x40: {  	[tilespmem:s8], [sflag:$0x1] =	stream.indirect.gather [hbm4b:s1+s7], $0x80, s4, s7, $0xb8;
	[tilespmem:$0x10400] =	vst v63  }
0x41: {  	_ = 	snop  }
0x42: {  	[tilespmem:s9], [sflag:$0x2] =	stream.indirect.gather [hbm4b:s2+s7], $0x1, s4, s7, $0xb8;
	[tilespmem:$0x10400] =	vst v63  }
0x43: {  	_ = 	snop  }
0x44: {  	[tilespmem:s10], [sflag:$0x1] =	stream.indirect.gather [hbm4b:s1+s7], $0x80, s7, s7, $0xb8;
	[tilespmem:$0x10400] =	vst v63  }
0x45: {  	_ = 	snop  }
0x46: {  	[tilespmem:s11], [sflag:$0x2] =	stream.indirect.gather [hbm4b:s2+s7], $0x1, s7, s7, $0xb8;
	[tilespmem:$0x10400] =	vst v63  }
0x47: {  	_ = 	snop  }
0x48: {  	[tilespmem:s13], [sflag:$0x1] =	stream.indirect.gather [hbm4b:s1+s7], $0x80, s12, s7, $0xb8;
	[tilespmem:$0x10400] =	vst v63  }
0x49: {  	_ = 	snop  }
0x4a: {  	[tilespmem:s14], [sflag:$0x2] =	stream.indirect.gather [hbm4b:s2+s7], $0x1, s12, s7, $0xb8;
	[tilespmem:$0x10400] =	vst v63  }
0x4b: {  	_ = 	snop  }
0x4c: {  	[tilespmem:s16], [sflag:$0x1] =	stream.indirect.gather [hbm4b:s1+s7], $0x80, s15, s7, $0xb8;
	[tilespmem:$0x10400] =	vst v63  }
0x4d: {  	_ = 	snop  }
0x4e: {  	[tilespmem:s17], [sflag:$0x2] =	stream.indirect.gather [hbm4b:s2+s7], $0x1, s15, s7, $0xb8;
	[tilespmem:$0x10400] =	vst v63  }
0x4f: {  	_ =	swait.ge [sflag:s18], $0x4000  }
0x50: {  	[sflag:s18] =	ssyncset.done $0x0  }
0x51: {  	[sflag:s18] =	ssyncadd.s32 $0xFFFFC000  }
0x52: {  	_ =	swait.ge [sflag:s19], $0x80  }
0x53: {  	[sflag:s19] =	ssyncset.done $0x0  }
0x54: {  	[sflag:s19] =	ssyncadd.s32 $0xFFFFFF80  }
0x55: {  	_ =	swait.ge [sflag:s18], $0x4000  }
0x56: {  	[sflag:s18] =	ssyncset.done $0x0  }
0x57: {  	[sflag:s18] =	ssyncadd.s32 $0xFFFFC000  }
0x58: {  	_ =	swait.ge [sflag:s19], $0x80  }
0x59: {  	[sflag:s19] =	ssyncset.done $0x0  }
0x5a: {  	[sflag:s19] =	ssyncadd.s32 $0xFFFFFF80  }
0x5b: {  	_ =	swait.ge [sflag:s18], $0x4000  }
0x5c: {  	[sflag:s18] =	ssyncset.done $0x0  }
0x5d: {  	[sflag:s18] =	ssyncadd.s32 $0xFFFFC000  }
0x5e: {  	_ =	swait.ge [sflag:s19], $0x80  }
0x5f: {  	[sflag:s19] =	ssyncset.done $0x0  }
0x60: {  	[sflag:s19] =	ssyncadd.s32 $0xFFFFFF80  }
0x61: {  	_ =	swait.ge [sflag:s18], $0x4000  }
0x62: {  	[sflag:s18] =	ssyncset.done $0x0  }
0x63: {  	[sflag:s18] =	ssyncadd.s32 $0xFFFFC000  }
0x64: {  	_ =	swait.ge [sflag:s19], $0x80  }
0x65: {  	[sflag:s19] =	ssyncset.done $0x0  }
0x66: {  	[sflag:s19] =	ssyncadd.s32 $0xFFFFFF80  }
0x67: {  	[hbm4b:s20+s4] =	stream.linear.scatter [tilespmem:s8], [sflag:$0x3], $0x10000, $0x38;
	[tilespmem:$0x10400] =	vst v63  }
0x68: {  	_ =	swait.ge [sflag:s5], $0x10000  }
.Ltmp1:
0x69: {  	[sflag:s5] =	ssyncset.done $0x0;
	(pc) =	sbr.rel @p0 .LBB2_1-.Ltmp1, $4  }
0x6a: {  	[sflag:s5] =	ssyncadd.s32 $0xFFFF0000  }
0x6b: {  	[hbm4b:s21+s4] =	stream.linear.scatter [tilespmem:s9], [sflag:$0x3], $0x200, $0x38;
	[tilespmem:$0x10400] =	vst v63  }
0x6c: {  	_ =	swait.ge [sflag:s5], $0x200  }
0x6d: {  	[sflag:s5] =	ssyncset.done $0x0  }
.LBB2_2:
0x6e: {  	[sflag:s5] =	ssyncadd.s32 $0xFFFFFE00  }
0x6f: {  	_ =	sfence.sel $0x180000  }
0x70: {  	[bflag:$0x0] =	sbarrier.arrive $0xFFFF  }
0x71: {  	p0 =	sne.s32 s0, $0x0;
	_ =	strace $0x9000004A  }
0x72: {  	s0 =	sadd.s32 @!p0 $0x100000, s3;
	[bflag:$0x2] =	sbarrier.arrive $0xFFFF  }
0x73: {  	[sflag:s0] =	ssyncadd.tile.s32 @!p0 $0x1;
	_ =	shalt  }
.Lfunc_end2:
_tile_overlayer_lowered:
.L_overlay_start_2:
0x74: {  	(tag) =	ssettag $0x2  }
0x75: {  	s0 =	rddreg [dreg:$0x0];
	s2 =	stileid.u32  }
0x76: {  	s1 =	rddreg [dreg:$0x1];
	p0 =	sne.s32 s2, $0x0  }
0x77: {  	s3 =	rddreg [dreg:$0x2];
	[bflag:$0x3] =	sbarrier.arrive $0xFFFF;
	s2 =	simm.s32 @!p0 $0x1C03  }
0x78: {  	[timem:s3], [sflag:s2] =	dma.local @!p0 [hbm:s0], s1  }
0x79: {  	s0 =	simm.s32 @!p0 $0x3  }
0x7a: {  	_ =	swait.ge @!p0 [sflag:s0], s1  }
0x7b: {  	s1 =	ssub.s32 @!p0 $0x0, s1;
	[sflag:s0] =	ssyncset.done @!p0 $0x0  }
0x7c: {  	[sflag:s0] =	ssyncadd.s32 @!p0 s1  }
0x7d: {  	[bflag:$0x3] =	sbarrier.arrive $0xFFFF  }
0x7e: {  	_ =	shalt  }

</sc_bundles>
